<compile_context>
chip_gen: v7x
topology: tpu7x:2x2x1
jax: 0.10.2.dev20260603
libtpu: 0.0.44.dev20260713+nightly
codegen_flags: <defaults>
</compile_context>

<pallas_src>
import functools

import jax
import jax.numpy as jnp
from jax import lax
from jax.experimental import pallas as pl
from jax.experimental.pallas import tpu as pltpu
from jax.experimental.pallas import tpu_sc as plsc

B = 16
IN_CH = 256
CH = 128
OUT_CH = 256
RES = 16
PIX = RES * RES
EMBED_DIM = 64
N_EMBED = 1024
N_PHYLO_CH = 64
FLAT_IN = N_PHYLO_CH * PIX
FLAT_CODE = 2048
NBI = 16
NBO = 16
BS_IN = FLAT_CODE // NBI
BS_OUT = FLAT_IN // NBO
QSTEP = NBI + 1
NROWS = B * 32


def _silu(v):
    return v * jax.nn.sigmoid(v)


def _front_kernel(x_ref, ciw_ref, cib_ref, lng_ref, lnb_ref,
                  wi_ref, bi_ref, cb_ref,
                  idx_ref, simg_ref,
                  flat_s, z_s):
    i = pl.program_id(0)

    @pl.when(i == 0)
    def _prologue():
        ciw = ciw_ref[...]
        cib = cib_ref[...]
        for b in range(B):
            sx = _silu(x_ref[b])
            h = jax.lax.dot_general(ciw, sx, (((1,), (0,)), ((), ())),
                                    preferred_element_type=jnp.float32) + cib
            hp = h[:N_PHYLO_CH]
            mu = jnp.mean(hp)
            var = jnp.mean((hp - mu) ** 2)
            hn = (hp - mu) * jax.lax.rsqrt(var + 1e-5)
            flat_s[b] = (hn * lng_ref[...] + lnb_ref[...]).astype(jnp.bfloat16)
            simg_ref[b] = _silu(h[N_PHYLO_CH:])

    @pl.when((i >= 1) & (i <= NBI))
    def _mlp_in():
        acc = jax.lax.dot_general(
            flat_s[...].reshape(B, FLAT_IN).astype(jnp.float32), wi_ref[...],
            (((1,), (1,)), ((), ())), preferred_element_type=jnp.float32)
        z_s[:, pl.ds((i - 1) * BS_IN, BS_IN)] = _silu(acc + bi_ref[0])

    @pl.when(i == QSTEP)
    def _argmin():
        cb = cb_ref[...]
        ones = jnp.ones((1, EMBED_DIM), jnp.float32)
        cb_sq = jax.lax.dot_general(ones, cb * cb, (((1,), (1,)), ((), ())),
                                    preferred_element_type=jnp.float32)
        iota = jax.lax.broadcasted_iota(jnp.int32, (128, N_EMBED), 1)
        for c in range(4):
            zc = z_s[4 * c:4 * c + 4]
            zf = jnp.transpose(zc.reshape(4, EMBED_DIM, 32),
                               (0, 2, 1)).reshape(128, EMBED_DIM)
            cross = jax.lax.dot_general(zf, cb, (((1,), (1,)), ((), ())),
                                        preferred_element_type=jnp.float32)
            d = cb_sq - 2.0 * cross
            dmin = jnp.min(d, axis=1, keepdims=True)
            idx = jnp.min(jnp.where(d <= dmin, iota, N_EMBED), axis=1,
                          keepdims=True)
            idx_ref[128 * c:128 * c + 128] = idx


def _make_sc_gather():
    info = plsc.get_sparse_core_info()
    nc, ns = info.num_cores, info.num_subcores
    nw = nc * ns
    b_per_w = NROWS // nw
    mesh = plsc.VectorSubcoreMesh(core_axis_name="c", subcore_axis_name="s")

    @functools.partial(
        pl.kernel, mesh=mesh,
        out_type=jax.ShapeDtypeStruct((NROWS, 128), jnp.float32),
        scratch_types=[
            pltpu.VMEM((b_per_w,), jnp.int32),
            pltpu.VMEM((b_per_w, 128), jnp.float32),
            pltpu.SemaphoreType.DMA,
        ],
    )
    def _sc_gather(table_hbm, idx_hbm, out_hbm, idx_v, rows_v, sem):
        wid = lax.axis_index("s") * nc + lax.axis_index("c")
        base = wid * b_per_w
        pltpu.sync_copy(idx_hbm.at[pl.ds(base, b_per_w)], idx_v)
        pltpu.async_copy(table_hbm.at[idx_v], rows_v, sem).wait()
        pltpu.sync_copy(rows_v, out_hbm.at[pl.ds(base, b_per_w)])

    return _sc_gather


def _mlp_out_kernel(zq_ref, w_ref, b_ref, h_ref):
    acc = jax.lax.dot_general(zq_ref[...], w_ref[...],
                              (((1,), (1,)), ((), ())),
                              preferred_element_type=jnp.float32)
    h_ref[...] = _silu(acc + b_ref[0])


def _epilogue_kernel(hout_ref, simg_ref, cow_ref, cob_ref, out_ref):
    w_p = cow_ref[:, :N_PHYLO_CH]
    w_i = cow_ref[:, N_PHYLO_CH:]
    cob = cob_ref[...]
    for b in range(B):
        sp = _silu(hout_ref[b])
        out_ref[b] = (
            jax.lax.dot_general(w_p, sp, (((1,), (0,)), ((), ())),
                                preferred_element_type=jnp.float32)
            + jax.lax.dot_general(w_i, simg_ref[b], (((1,), (0,)), ((), ())),
                                  preferred_element_type=jnp.float32)
            + cob)


def kernel(x, conv_in_w, conv_in_b, ln_g, ln_b, mlp_in_w, mlp_in_b,
           codebook, mlp_out_w, mlp_out_b, conv_out_w, conv_out_b):
    f32 = jnp.float32
    x_r = x.reshape(B, IN_CH, PIX)
    cib = conv_in_b.reshape(CH, 1)
    lng = ln_g.reshape(N_PHYLO_CH, PIX)
    lnb = ln_b.reshape(N_PHYLO_CH, PIX)
    b_in = mlp_in_b.reshape(NBI, 1, BS_IN)
    b_out = mlp_out_b.reshape(NBO, 1, BS_OUT)

    idx2, simg = pl.pallas_call(
        _front_kernel,
        grid=(QSTEP + 1,),
        in_specs=[
            pl.BlockSpec((B, IN_CH, PIX), lambda i: (0, 0, 0)),
            pl.BlockSpec((CH, IN_CH), lambda i: (0, 0)),
            pl.BlockSpec((CH, 1), lambda i: (0, 0)),
            pl.BlockSpec((N_PHYLO_CH, PIX), lambda i: (0, 0)),
            pl.BlockSpec((N_PHYLO_CH, PIX), lambda i: (0, 0)),
            pl.BlockSpec((BS_IN, FLAT_IN),
                         lambda i: (jnp.clip(i - 1, 0, NBI - 1), 0)),
            pl.BlockSpec((1, 1, BS_IN),
                         lambda i: (jnp.clip(i - 1, 0, NBI - 1), 0, 0)),
            pl.BlockSpec((N_EMBED, EMBED_DIM), lambda i: (0, 0)),
        ],
        out_specs=(pl.BlockSpec((NROWS, 1), lambda i: (0, 0)),
                   pl.BlockSpec((B, CH - N_PHYLO_CH, PIX),
                                lambda i: (0, 0, 0))),
        out_shape=(jax.ShapeDtypeStruct((NROWS, 1), jnp.int32),
                   jax.ShapeDtypeStruct((B, CH - N_PHYLO_CH, PIX), f32)),
        scratch_shapes=[
            pltpu.VMEM((B, N_PHYLO_CH, PIX), jnp.bfloat16),
            pltpu.VMEM((B, FLAT_CODE), f32),
        ],
        compiler_params=pltpu.CompilerParams(
            dimension_semantics=("arbitrary",)),
    )(x_r, conv_in_w, cib, lng, lnb, mlp_in_w, b_in, codebook)

    cb_pad = jnp.pad(codebook, ((0, 0), (0, 128 - EMBED_DIM)))
    zq_rows = _make_sc_gather()(cb_pad, idx2.reshape(NROWS))[:, :EMBED_DIM]
    zq = zq_rows.reshape(B, 32, EMBED_DIM).transpose(0, 2, 1).reshape(
        B, FLAT_CODE)

    hout = pl.pallas_call(
        _mlp_out_kernel,
        grid=(NBO,),
        in_specs=[
            pl.BlockSpec((B, FLAT_CODE), lambda i: (0, 0)),
            pl.BlockSpec((BS_OUT, FLAT_CODE), lambda i: (i, 0)),
            pl.BlockSpec((1, 1, BS_OUT), lambda i: (i, 0, 0)),
        ],
        out_specs=pl.BlockSpec((B, BS_OUT), lambda i: (0, i)),
        out_shape=jax.ShapeDtypeStruct((B, FLAT_IN), f32),
        compiler_params=pltpu.CompilerParams(
            dimension_semantics=("arbitrary",)),
    )(zq, mlp_out_w, b_out)

    cob = conv_out_b.reshape(OUT_CH, 1)
    out = pl.pallas_call(
        _epilogue_kernel,
        out_shape=jax.ShapeDtypeStruct((B, OUT_CH, PIX), f32),
    )(hout.reshape(B, N_PHYLO_CH, PIX), simg, conv_out_w, cob)
    return out.reshape(B, OUT_CH, RES, RES)

# --- scband reference (transcript-rebuilt; emitter-appended) ---
"""Pipeline reference for scband-phylo-disentangler-703 (READ-ONLY COPY).

The authoritative reference and input builder live on the scoring server;
editing this copy changes nothing except your own understanding.
"""

import jax, jax.numpy as jnp
import numpy as np

B = 16
IN_CH = 256
CH = 128
OUT_CH = 256
RES = 16
EMBED_DIM = 64
N_EMBED = 1024
N_PHYLO_CH = 64
N_LEVELS = 4
CB_PER_LEVEL = 8
FLAT_IN = N_PHYLO_CH * RES * RES          # 16384
FLAT_CODE = EMBED_DIM * CB_PER_LEVEL * N_LEVELS  # 2048


def setup_inputs(seed: int = 0) -> dict:
    key = jax.random.key(seed)
    ks = jax.random.split(key, 12)
    inp = {}
    inp["x"] = jax.random.normal(ks[0], (B, IN_CH, RES, RES), dtype=jnp.float32)
    # conv_in: SiLU -> Conv2d(in_channels, ch, k=1)
    inp["conv_in_w"] = jax.random.normal(ks[1], (CH, IN_CH), dtype=jnp.float32) * (1.0 / np.sqrt(IN_CH))
    inp["conv_in_b"] = jnp.zeros((CH,), dtype=jnp.float32)
    # mlp_in: LayerNorm([n_phylo_ch, res, res]) -> Flatten -> Linear -> SiLU -> Unflatten
    inp["ln_g"] = jnp.ones((N_PHYLO_CH, RES, RES), dtype=jnp.float32)
    inp["ln_b"] = jnp.zeros((N_PHYLO_CH, RES, RES), dtype=jnp.float32)
    inp["mlp_in_w"] = jax.random.normal(ks[2], (FLAT_CODE, FLAT_IN), dtype=jnp.float32) * (1.0 / np.sqrt(FLAT_IN))
    inp["mlp_in_b"] = jnp.zeros((FLAT_CODE,), dtype=jnp.float32)
    # VQ codebook
    inp["codebook"] = jax.random.uniform(ks[3], (N_EMBED, EMBED_DIM), dtype=jnp.float32, minval=-1.0 / N_EMBED, maxval=1.0 / N_EMBED)
    # mlp_out: Flatten -> Linear -> SiLU -> Unflatten
    inp["mlp_out_w"] = jax.random.normal(ks[4], (FLAT_IN, FLAT_CODE), dtype=jnp.float32) * (1.0 / np.sqrt(FLAT_CODE))
    inp["mlp_out_b"] = jnp.zeros((FLAT_IN,), dtype=jnp.float32)
    # conv_out: SiLU -> Conv2d(ch, out_ch, k=1)
    inp["conv_out_w"] = jax.random.normal(ks[5], (OUT_CH, CH), dtype=jnp.float32) * (1.0 / np.sqrt(CH))
    inp["conv_out_b"] = jnp.zeros((OUT_CH,), dtype=jnp.float32)
    return inp


def _quantize(z, codebook):
    # z: [B, embed_dim, cb_per_level, n_levels]  (channels-first, VQGAN-style)
    zp = jnp.transpose(z, (0, 2, 3, 1))               # [B, cb, levels, D]
    zf = zp.reshape(-1, EMBED_DIM)                    # [N, D]
    d = (jnp.sum(zf ** 2, axis=1, keepdims=True)
         + jnp.sum(codebook ** 2, axis=1)[None, :]
         - 2.0 * zf @ codebook.T)                     # [N, K]
    idx = jnp.argmin(d, axis=1)                       # [N]
    zq = jnp.take(codebook, idx, axis=0).reshape(zp.shape)
    # straight-through estimator
    zq = zp + jax.lax.stop_gradient(zq - zp)
    zq = jnp.transpose(zq, (0, 3, 1, 2))              # back to [B, D, cb, levels]
    return zq, idx


def reference(x, conv_in_w, conv_in_b, ln_g, ln_b, mlp_in_w, mlp_in_b,
              codebook, mlp_out_w, mlp_out_b, conv_out_w, conv_out_b):
    silu = jax.nn.silu
    # conv_in = SiLU -> 1x1 conv
    h = jnp.einsum('bchw,oc->bohw', silu(x), conv_in_w) + conv_in_b[None, :, None, None]
    h_phylo = h[:, :N_PHYLO_CH]
    h_img = h[:, N_PHYLO_CH:]          # passthrough channels (ch != n_phylo_channels)
    # mlp_in: LayerNorm over [n_phylo_ch, res, res]
    mu = jnp.mean(h_phylo, axis=(1, 2, 3), keepdims=True)
    var = jnp.var(h_phylo, axis=(1, 2, 3), keepdims=True)
    hn = (h_phylo - mu) / jnp.sqrt(var + 1e-5)
    hn = hn * ln_g[None] + ln_b[None]
    flat = hn.reshape(B, -1)
    z = silu(flat @ mlp_in_w.T + mlp_in_b)
    z = z.reshape(B, EMBED_DIM, CB_PER_LEVEL, N_LEVELS)
    # vector quantization
    zq, _idx = _quantize(z, codebook)
    # mlp_out
    hout = silu(zq.reshape(B, -1) @ mlp_out_w.T + mlp_out_b)
    hout = hout.reshape(B, N_PHYLO_CH, RES, RES)
    # concat phylo output with passthrough channels
    h_cat = jnp.concatenate([hout, h_img], axis=1)
    # conv_out = SiLU -> 1x1 conv
    out = jnp.einsum('bchw,oc->bohw', silu(h_cat), conv_out_w) + conv_out_b[None, :, None, None]
    return out

if __name__ == "__main__":
    import jax
    _d = setup_inputs()
    print(jax.jit(kernel)(*tuple(_d.values())))

</pallas_src>

<mosaic_0001>
#map = affine_map<(d0, d1) -> (0, 0)>
#map1 = affine_map<(d0, d1) -> (0)>
module attributes {stable_mosaic.version = 14 : i64} {
  func.func @_sc_gather(%arg0: i32, %arg1: i32, %arg2: memref<1024x128xf32, #tpu.memory_space<hbm>>, %arg3: memref<512xi32, #tpu.memory_space<hbm>>, %arg4: memref<512x128xf32, #tpu.memory_space<hbm>>, %arg5: memref<16xi32, #tpu.memory_space<vmem>>, %arg6: memref<16x128xf32, #tpu.memory_space<vmem>>, %arg7: memref<!tpu.dma_semaphore, #tpu.memory_space<semaphore_mem>>) attributes {dimension_semantics = [#tpu.dimension_semantics<core_parallel>, #tpu.dimension_semantics<subcore_parallel>], iteration_bounds = array<i64: 2, 16>, scalar_prefetch = 0 : i64, scratch_operands = 3 : i64, tpu.core_type = #tpu.core_type<sc_vector_subcore>, window_params = [{transform_indices = #map}, {transform_indices = #map1}, {transform_indices = #map}]} {
    %mul3A = arith.constant 2 : i32
    %mul3A_0 = arith.muli %arg1, %mul3A : i32
    %add3A = arith.addi %mul3A_0, %arg0 : i32
    %mul3A_1 = arith.constant 16 : i32
    %mul3A_2 = arith.muli %add3A, %mul3A_1 : i32
    "tpu.region"() ({
      %run_scoped3A = tpu.sem_alloc : memref<!tpu.dma_semaphore, #tpu.memory_space<semaphore_mem>>
      %dma_start3A_7 = tpu.memref_slice %arg3[%mul3A_2] : memref<512xi32, #tpu.memory_space<hbm>> -> memref<16xi32, #tpu.memory_space<hbm>>
      %dma_start3A_8 = tpu.memref_slice %arg3[%mul3A_2] : memref<512xi32, #tpu.memory_space<hbm>> -> memref<16xi32, #tpu.memory_space<hbm>>
      tpu.enqueue_dma source(%dma_start3A_8 : memref<16xi32, #tpu.memory_space<hbm>>) target(%arg5 : memref<16xi32, #tpu.memory_space<vmem>>) target_semaphore(%run_scoped3A : memref<!tpu.dma_semaphore, #tpu.memory_space<semaphore_mem>>)
      %dma_wait3A_9 = tpu.memref_slice %arg3[%mul3A_2] : memref<512xi32, #tpu.memory_space<hbm>> -> memref<16xi32, #tpu.memory_space<hbm>>
      %dma_wait3A_10 = tpu.memref_slice %arg3[%mul3A_2] : memref<512xi32, #tpu.memory_space<hbm>> -> memref<16xi32, #tpu.memory_space<hbm>>
      tpu.wait_dma2 semaphore(%run_scoped3A : memref<!tpu.dma_semaphore, #tpu.memory_space<semaphore_mem>>) src(%dma_wait3A_10 : memref<16xi32, #tpu.memory_space<hbm>>) dst(%arg5 : memref<16xi32, #tpu.memory_space<vmem>>)
      tpu.yield
    }) : () -> ()
    %dma_start3A = arith.constant 0 : i32
    %dma_start3A_3 = arith.constant 0 : i32
    %dma_start3A_4 = tpu.memref_slice %arg2[%dma_start3A, %dma_start3A_3] : memref<1024x128xf32, #tpu.memory_space<hbm>> -> memref<1024x128xf32, #tpu.memory_space<hbm>>
    tpu.enqueue_indirect_dma source(%dma_start3A_4 : memref<1024x128xf32, #tpu.memory_space<hbm>>) target(%arg6 : memref<16x128xf32, #tpu.memory_space<vmem>>) offsets(%arg5 : memref<16xi32, #tpu.memory_space<vmem>>) semaphore(%arg7 : memref<!tpu.dma_semaphore, #tpu.memory_space<semaphore_mem>>)
    %dma_wait3A = arith.constant 0 : i32
    %dma_wait3A_5 = arith.constant 0 : i32
    %dma_wait3A_6 = tpu.memref_slice %arg2[%dma_wait3A, %dma_wait3A_5] : memref<1024x128xf32, #tpu.memory_space<hbm>> -> memref<1024x128xf32, #tpu.memory_space<hbm>>
    tpu.wait_indirect_dma semaphore(%arg7 : memref<!tpu.dma_semaphore, #tpu.memory_space<semaphore_mem>>) src(%dma_wait3A_6 : memref<1024x128xf32, #tpu.memory_space<hbm>>) dst(%arg6 : memref<16x128xf32, #tpu.memory_space<vmem>>)
    "tpu.region"() ({
      %run_scoped3A = tpu.sem_alloc : memref<!tpu.dma_semaphore, #tpu.memory_space<semaphore_mem>>
      %dma_start3A_7 = arith.constant 0 : i32
      %dma_start3A_8 = tpu.memref_slice %arg4[%mul3A_2, %dma_start3A_7] : memref<512x128xf32, #tpu.memory_space<hbm>> -> memref<16x128xf32, #tpu.memory_space<hbm>>
      %dma_start3A_9 = arith.constant 0 : i32
      %dma_start3A_10 = tpu.memref_slice %arg4[%mul3A_2, %dma_start3A_9] : memref<512x128xf32, #tpu.memory_space<hbm>> -> memref<16x128xf32, #tpu.memory_space<hbm>>
      tpu.enqueue_dma source(%arg6 : memref<16x128xf32, #tpu.memory_space<vmem>>) target(%dma_start3A_10 : memref<16x128xf32, #tpu.memory_space<hbm>>) target_semaphore(%run_scoped3A : memref<!tpu.dma_semaphore, #tpu.memory_space<semaphore_mem>>)
      %dma_wait3A_11 = arith.constant 0 : i32
      %dma_wait3A_12 = tpu.memref_slice %arg4[%mul3A_2, %dma_wait3A_11] : memref<512x128xf32, #tpu.memory_space<hbm>> -> memref<16x128xf32, #tpu.memory_space<hbm>>
      %dma_wait3A_13 = arith.constant 0 : i32
      %dma_wait3A_14 = tpu.memref_slice %arg4[%mul3A_2, %dma_wait3A_13] : memref<512x128xf32, #tpu.memory_space<hbm>> -> memref<16x128xf32, #tpu.memory_space<hbm>>
      tpu.wait_dma2 semaphore(%run_scoped3A : memref<!tpu.dma_semaphore, #tpu.memory_space<semaphore_mem>>) src(%arg6 : memref<16x128xf32, #tpu.memory_space<vmem>>) dst(%dma_wait3A_14 : memref<16x128xf32, #tpu.memory_space<hbm>>)
      tpu.yield
    }) : () -> ()
    return
  }
}

module attributes {stable_mosaic.version = 14 : i64} {
  func.func @_front_kernel(%arg0: i32, %arg1: memref<16x256x256xf32, #tpu.memory_space<vmem>>, %arg2: memref<128x256xf32, #tpu.memory_space<vmem>>, %arg3: memref<128x1xf32, #tpu.memory_space<vmem>>, %arg4: memref<64x256xf32, #tpu.memory_space<vmem>>, %arg5: memref<64x256xf32, #tpu.memory_space<vmem>>, %arg6: memref<128x16384xf32, #tpu.memory_space<vmem>>, %arg7: memref<1x1x128xf32, #tpu.memory_space<vmem>>, %arg8: memref<1024x64xf32, #tpu.memory_space<vmem>>, %arg9: memref<512x1xi32, #tpu.memory_space<vmem>>, %arg10: memref<16x64x256xf32, #tpu.memory_space<vmem>>, %arg11: memref<16x64x256xbf16, #tpu.memory_space<vmem>>, %arg12: memref<16x2048xf32, #tpu.memory_space<vmem>>) attributes {dimension_semantics = [#tpu.dimension_semantics<arbitrary>], iteration_bounds = array<i64: 18>, scalar_prefetch = 0 : i64, scratch_operands = 2 : i64, tpu.core_type = #tpu.core_type<tc>, window_params = [{pipeline_mode = #tpu.pipeline_mode<synchronous>, transform_indices = @transform_0, window_bounds = array<i64: 16, 256, 256>}, {pipeline_mode = #tpu.pipeline_mode<synchronous>, transform_indices = @transform_1, window_bounds = array<i64: 128, 256>}, {pipeline_mode = #tpu.pipeline_mode<synchronous>, transform_indices = @transform_2, window_bounds = array<i64: 128, 1>}, {pipeline_mode = #tpu.pipeline_mode<synchronous>, transform_indices = @transform_3, window_bounds = array<i64: 64, 256>}, {pipeline_mode = #tpu.pipeline_mode<synchronous>, transform_indices = @transform_4, window_bounds = array<i64: 64, 256>}, {transform_indices = @transform_5, window_bounds = array<i64: 128, 16384>}, {transform_indices = @transform_6, window_bounds = array<i64: 1, 1, 128>}, {pipeline_mode = #tpu.pipeline_mode<synchronous>, transform_indices = @transform_7, window_bounds = array<i64: 1024, 64>}, {pipeline_mode = #tpu.pipeline_mode<synchronous>, transform_indices = @transform_8, window_bounds = array<i64: 512, 1>}, {pipeline_mode = #tpu.pipeline_mode<synchronous>, transform_indices = @transform_9, window_bounds = array<i64: 16, 64, 256>}]} {
    %eq3A = arith.constant 0 : i32
    %eq3A_0 = arith.cmpi eq, %arg0, %eq3A : i32
    %convert_element_type3A = arith.extui %eq3A_0 : i1 to i32
    %cond3A = arith.constant 0 : i32
    %cond3A_1 = arith.cmpi ne, %convert_element_type3A, %cond3A : i32
    scf.if %cond3A_1 {
      %get3A = arith.constant 0 : index
      %get3A_12 = arith.constant 0 : index
      %get3A_13 = vector.load %arg2[%get3A, %get3A_12] : memref<128x256xf32, #tpu.memory_space<vmem>>, vector<128x256xf32>
      %get3A_14 = arith.constant 0 : index
      %get3A_15 = arith.constant 0 : index
      %get3A_16 = vector.load %arg3[%get3A_14, %get3A_15] : memref<128x1xf32, #tpu.memory_space<vmem>>, vector<128x1xf32>
      %get3A_17 = arith.constant 0 : index
      %get3A_18 = arith.constant 0 : index
      %get3A_19 = arith.constant 0 : index
      %get3A_20 = vector.load %arg1[%get3A_17, %get3A_18, %get3A_19] : memref<16x256x256xf32, #tpu.memory_space<vmem>>, vector<1x256x256xf32>
      %get3A_21 = vector.shape_cast %get3A_20 : vector<1x256x256xf32> to vector<256x256xf32>
      %logistic3A = arith.negf %get3A_21 : vector<256x256xf32>
      %logistic3A_22 = math.exp %logistic3A : vector<256x256xf32>
      %logistic3A_23 = arith.constant 1.000000e+00 : f32
      %logistic3A_24 = vector.broadcast %logistic3A_23 : f32 to vector<256x256xf32>
      %logistic3A_25 = arith.addf %logistic3A_24, %logistic3A_22 : vector<256x256xf32>
      %logistic3A_26 = arith.divf %logistic3A_24, %logistic3A_25 : vector<256x256xf32>
      %mul3A = arith.mulf %get3A_21, %logistic3A_26 : vector<256x256xf32>
      %dot_general3A = arith.constant dense<0.000000e+00> : vector<128x256xf32>
      %dot_general3A_27 = tpu.matmul %get3A_13, %mul3A, %dot_general3A {dimension_numbers = #tpu.dot_dimension_numbers<[1], [0], [0], [1], [0, 0, 1, 1], [], []>, transpose_lhs_hint = false} : vector<128x256xf32>, vector<256x256xf32>, vector<128x256xf32> -> vector<128x256xf32>
      %add3A = vector.broadcast %get3A_16 : vector<128x1xf32> to vector<128x256xf32>
      %add3A_28 = arith.addf %dot_general3A_27, %add3A : vector<128x256xf32>
      %slice3A = vector.extract_strided_slice %add3A_28 {offsets = [0, 0], sizes = [64, 256], strides = [1, 1]} : vector<128x256xf32> to vector<64x256xf32>
      %reduce_sum3A = vector.shape_cast %slice3A : vector<64x256xf32> to vector<1x64x256xf32>
      %reduce_sum3A_29 = arith.constant dense<0.000000e+00> : vector<1xf32>
      %reduce_sum3A_30 = vector.multi_reduction <add>, %reduce_sum3A, %reduce_sum3A_29 [1, 2] : vector<1x64x256xf32> to vector<1xf32>
      %reduce_sum3A_31 = vector.shape_cast %reduce_sum3A_30 : vector<1xf32> to vector<1x1x1xf32>
      %reduce_sum3A_32 = vector.extract %reduce_sum3A_31[0, 0, 0] : f32 from vector<1x1x1xf32>
      %div3A = arith.constant 1.638400e+04 : f32
      %div3A_33 = arith.divf %reduce_sum3A_32, %div3A : f32
      %sub3A = vector.broadcast %div3A_33 : f32 to vector<64x256xf32>
      %sub3A_34 = arith.subf %slice3A, %sub3A : vector<64x256xf32>
      %integer_pow3A = arith.mulf %sub3A_34, %sub3A_34 : vector<64x256xf32>
      %reduce_sum3A_35 = vector.shape_cast %integer_pow3A : vector<64x256xf32> to vector<1x64x256xf32>
      %reduce_sum3A_36 = arith.constant dense<0.000000e+00> : vector<1xf32>
      %reduce_sum3A_37 = vector.multi_reduction <add>, %reduce_sum3A_35, %reduce_sum3A_36 [1, 2] : vector<1x64x256xf32> to vector<1xf32>
      %reduce_sum3A_38 = vector.shape_cast %reduce_sum3A_37 : vector<1xf32> to vector<1x1x1xf32>
      %reduce_sum3A_39 = vector.extract %reduce_sum3A_38[0, 0, 0] : f32 from vector<1x1x1xf32>
      %div3A_40 = arith.constant 1.638400e+04 : f32
      %div3A_41 = arith.divf %reduce_sum3A_39, %div3A_40 : f32
      %sub3A_42 = vector.broadcast %div3A_33 : f32 to vector<64x256xf32>
      %sub3A_43 = arith.subf %slice3A, %sub3A_42 : vector<64x256xf32>
      %add3A_44 = arith.constant 9.99999974E-6 : f32
      %add3A_45 = arith.addf %div3A_41, %add3A_44 : f32
      %rsqrt3A = math.rsqrt %add3A_45 : f32
      %mul3A_46 = vector.broadcast %rsqrt3A : f32 to vector<64x256xf32>
      %mul3A_47 = arith.mulf %sub3A_43, %mul3A_46 : vector<64x256xf32>
      %get3A_48 = arith.constant 0 : index
      %get3A_49 = arith.constant 0 : index
      %get3A_50 = vector.load %arg4[%get3A_48, %get3A_49] : memref<64x256xf32, #tpu.memory_space<vmem>>, vector<64x256xf32>
      %mul3A_51 = arith.mulf %mul3A_47, %get3A_50 : vector<64x256xf32>
      %get3A_52 = arith.constant 0 : index
      %get3A_53 = arith.constant 0 : index
      %get3A_54 = vector.load %arg5[%get3A_52, %get3A_53] : memref<64x256xf32, #tpu.memory_space<vmem>>, vector<64x256xf32>
      %add3A_55 = arith.addf %mul3A_51, %get3A_54 : vector<64x256xf32>
      %convert_element_type3A_56 = arith.truncf %add3A_55 : vector<64x256xf32> to vector<64x256xbf16>
      %swap3A = arith.constant 0 : index
      %swap3A_57 = arith.constant 0 : index
      %swap3A_58 = arith.constant 0 : index
      %swap3A_59 = vector.load %arg11[%swap3A, %swap3A_57, %swap3A_58] : memref<16x64x256xbf16, #tpu.memory_space<vmem>>, vector<1x64x256xbf16>
      %swap3A_60 = vector.shape_cast %swap3A_59 : vector<1x64x256xbf16> to vector<64x256xbf16>
      %swap3A_61 = vector.shape_cast %convert_element_type3A_56 : vector<64x256xbf16> to vector<1x64x256xbf16>
      tpu.vector_store %arg11[%swap3A, %swap3A_57, %swap3A_58], %swap3A_61 {strides = array<i32>} : memref<16x64x256xbf16, #tpu.memory_space<vmem>>, vector<1x64x256xbf16>,
      %slice3A_62 = vector.extract_strided_slice %add3A_28 {offsets = [64, 0], sizes = [64, 256], strides = [1, 1]} : vector<128x256xf32> to vector<64x256xf32>
      %logistic3A_63 = arith.negf %slice3A_62 : vector<64x256xf32>
      %logistic3A_64 = math.exp %logistic3A_63 : vector<64x256xf32>
      %logistic3A_65 = arith.constant 1.000000e+00 : f32
      %logistic3A_66 = vector.broadcast %logistic3A_65 : f32 to vector<64x256xf32>
      %logistic3A_67 = arith.addf %logistic3A_66, %logistic3A_64 : vector<64x256xf32>
      %logistic3A_68 = arith.divf %logistic3A_66, %logistic3A_67 : vector<64x256xf32>
      %mul3A_69 = arith.mulf %slice3A_62, %logistic3A_68 : vector<64x256xf32>
      %swap3A_70 = arith.constant 0 : index
      %swap3A_71 = arith.constant 0 : index
      %swap3A_72 = arith.constant 0 : index
      %swap3A_73 = vector.load %arg10[%swap3A_70, %swap3A_71, %swap3A_72] : memref<16x64x256xf32, #tpu.memory_space<vmem>>, vector<1x64x256xf32>
      %swap3A_74 = vector.shape_cast %swap3A_73 : vector<1x64x256xf32> to vector<64x256xf32>
      %swap3A_75 = vector.shape_cast %mul3A_69 : vector<64x256xf32> to vector<1x64x256xf32>
      tpu.vector_store %arg10[%swap3A_70, %swap3A_71, %swap3A_72], %swap3A_75 {strides = array<i32>} : memref<16x64x256xf32, #tpu.memory_space<vmem>>, vector<1x64x256xf32>,
      %get3A_76 = arith.constant 1 : index
      %get3A_77 = arith.constant 0 : index
      %get3A_78 = arith.constant 0 : index
      %get3A_79 = vector.load %arg1[%get3A_76, %get3A_77, %get3A_78] : memref<16x256x256xf32, #tpu.memory_space<vmem>>, vector<1x256x256xf32>
      %get3A_80 = vector.shape_cast %get3A_79 : vector<1x256x256xf32> to vector<256x256xf32>
      %logistic3A_81 = arith.negf %get3A_80 : vector<256x256xf32>
      %logistic3A_82 = math.exp %logistic3A_81 : vector<256x256xf32>
      %logistic3A_83 = arith.constant 1.000000e+00 : f32
      %logistic3A_84 = vector.broadcast %logistic3A_83 : f32 to vector<256x256xf32>
      %logistic3A_85 = arith.addf %logistic3A_84, %logistic3A_82 : vector<256x256xf32>
      %logistic3A_86 = arith.divf %logistic3A_84, %logistic3A_85 : vector<256x256xf32>
      %mul3A_87 = arith.mulf %get3A_80, %logistic3A_86 : vector<256x256xf32>
      %dot_general3A_88 = arith.constant dense<0.000000e+00> : vector<128x256xf32>
      %dot_general3A_89 = tpu.matmul %get3A_13, %mul3A_87, %dot_general3A_88 {dimension_numbers = #tpu.dot_dimension_numbers<[1], [0], [0], [1], [0, 0, 1, 1], [], []>, transpose_lhs_hint = false} : vector<128x256xf32>, vector<256x256xf32>, vector<128x256xf32> -> vector<128x256xf32>
      %add3A_90 = vector.broadcast %get3A_16 : vector<128x1xf32> to vector<128x256xf32>
      %add3A_91 = arith.addf %dot_general3A_89, %add3A_90 : vector<128x256xf32>
      %slice3A_92 = vector.extract_strided_slice %add3A_91 {offsets = [0, 0], sizes = [64, 256], strides = [1, 1]} : vector<128x256xf32> to vector<64x256xf32>
      %reduce_sum3A_93 = vector.shape_cast %slice3A_92 : vector<64x256xf32> to vector<1x64x256xf32>
      %reduce_sum3A_94 = arith.constant dense<0.000000e+00> : vector<1xf32>
      %reduce_sum3A_95 = vector.multi_reduction <add>, %reduce_sum3A_93, %reduce_sum3A_94 [1, 2] : vector<1x64x256xf32> to vector<1xf32>
      %reduce_sum3A_96 = vector.shape_cast %reduce_sum3A_95 : vector<1xf32> to vector<1x1x1xf32>
      %reduce_sum3A_97 = vector.extract %reduce_sum3A_96[0, 0, 0] : f32 from vector<1x1x1xf32>
      %div3A_98 = arith.constant 1.638400e+04 : f32
      %div3A_99 = arith.divf %reduce_sum3A_97, %div3A_98 : f32
      %sub3A_100 = vector.broadcast %div3A_99 : f32 to vector<64x256xf32>
      %sub3A_101 = arith.subf %slice3A_92, %sub3A_100 : vector<64x256xf32>
      %integer_pow3A_102 = arith.mulf %sub3A_101, %sub3A_101 : vector<64x256xf32>
      %reduce_sum3A_103 = vector.shape_cast %integer_pow3A_102 : vector<64x256xf32> to vector<1x64x256xf32>
      %reduce_sum3A_104 = arith.constant dense<0.000000e+00> : vector<1xf32>
      %reduce_sum3A_105 = vector.multi_reduction <add>, %reduce_sum3A_103, %reduce_sum3A_104 [1, 2] : vector<1x64x256xf32> to vector<1xf32>
      %reduce_sum3A_106 = vector.shape_cast %reduce_sum3A_105 : vector<1xf32> to vector<1x1x1xf32>
      %reduce_sum3A_107 = vector.extract %reduce_sum3A_106[0, 0, 0] : f32 from vector<1x1x1xf32>
      %div3A_108 = arith.constant 1.638400e+04 : f32
      %div3A_109 = arith.divf %reduce_sum3A_107, %div3A_108 : f32
      %sub3A_110 = vector.broadcast %div3A_99 : f32 to vector<64x256xf32>
      %sub3A_111 = arith.subf %slice3A_92, %sub3A_110 : vector<64x256xf32>
      %add3A_112 = arith.constant 9.99999974E-6 : f32
      %add3A_113 = arith.addf %div3A_109, %add3A_112 : f32
      %rsqrt3A_114 = math.rsqrt %add3A_113 : f32
      %mul3A_115 = vector.broadcast %rsqrt3A_114 : f32 to vector<64x256xf32>
      %mul3A_116 = arith.mulf %sub3A_111, %mul3A_115 : vector<64x256xf32>
      %get3A_117 = arith.constant 0 : index
      %get3A_118 = arith.constant 0 : index
      %get3A_119 = vector.load %arg4[%get3A_117, %get3A_118] : memref<64x256xf32, #tpu.memory_space<vmem>>, vector<64x256xf32>
      %mul3A_120 = arith.mulf %mul3A_116, %get3A_119 : vector<64x256xf32>
      %get3A_121 = arith.constant 0 : index
      %get3A_122 = arith.constant 0 : index
      %get3A_123 = vector.load %arg5[%get3A_121, %get3A_122] : memref<64x256xf32, #tpu.memory_space<vmem>>, vector<64x256xf32>
      %add3A_124 = arith.addf %mul3A_120, %get3A_123 : vector<64x256xf32>
      %convert_element_type3A_125 = arith.truncf %add3A_124 : vector<64x256xf32> to vector<64x256xbf16>
      %swap3A_126 = arith.constant 1 : index
      %swap3A_127 = arith.constant 0 : index
      %swap3A_128 = arith.constant 0 : index
      %swap3A_129 = vector.load %arg11[%swap3A_126, %swap3A_127, %swap3A_128] : memref<16x64x256xbf16, #tpu.memory_space<vmem>>, vector<1x64x256xbf16>
      %swap3A_130 = vector.shape_cast %swap3A_129 : vector<1x64x256xbf16> to vector<64x256xbf16>
      %swap3A_131 = vector.shape_cast %convert_element_type3A_125 : vector<64x256xbf16> to vector<1x64x256xbf16>
      tpu.vector_store %arg11[%swap3A_126, %swap3A_127, %swap3A_128], %swap3A_131 {strides = array<i32>} : memref<16x64x256xbf16, #tpu.memory_space<vmem>>, vector<1x64x256xbf16>,
      %slice3A_132 = vector.extract_strided_slice %add3A_91 {offsets = [64, 0], sizes = [64, 256], strides = [1, 1]} : vector<128x256xf32> to vector<64x256xf32>
      %logistic3A_133 = arith.negf %slice3A_132 : vector<64x256xf32>
      %logistic3A_134 = math.exp %logistic3A_133 : vector<64x256xf32>
      %logistic3A_135 = arith.constant 1.000000e+00 : f32
      %logistic3A_136 = vector.broadcast %logistic3A_135 : f32 to vector<64x256xf32>
      %logistic3A_137 = arith.addf %logistic3A_136, %logistic3A_134 : vector<64x256xf32>
      %logistic3A_138 = arith.divf %logistic3A_136, %logistic3A_137 : vector<64x256xf32>
      %mul3A_139 = arith.mulf %slice3A_132, %logistic3A_138 : vector<64x256xf32>
      %swap3A_140 = arith.constant 1 : index
      %swap3A_141 = arith.constant 0 : index
      %swap3A_142 = arith.constant 0 : index
      %swap3A_143 = vector.load %arg10[%swap3A_140, %swap3A_141, %swap3A_142] : memref<16x64x256xf32, #tpu.memory_space<vmem>>, vector<1x64x256xf32>
      %swap3A_144 = vector.shape_cast %swap3A_143 : vector<1x64x256xf32> to vector<64x256xf32>
      %swap3A_145 = vector.shape_cast %mul3A_139 : vector<64x256xf32> to vector<1x64x256xf32>
      tpu.vector_store %arg10[%swap3A_140, %swap3A_141, %swap3A_142], %swap3A_145 {strides = array<i32>} : memref<16x64x256xf32, #tpu.memory_space<vmem>>, vector<1x64x256xf32>,
      %get3A_146 = arith.constant 2 : index
      %get3A_147 = arith.constant 0 : index
      %get3A_148 = arith.constant 0 : index
      %get3A_149 = vector.load %arg1[%get3A_146, %get3A_147, %get3A_148] : memref<16x256x256xf32, #tpu.memory_space<vmem>>, vector<1x256x256xf32>
      %get3A_150 = vector.shape_cast %get3A_149 : vector<1x256x256xf32> to vector<256x256xf32>
      %logistic3A_151 = arith.negf %get3A_150 : vector<256x256xf32>
      %logistic3A_152 = math.exp %logistic3A_151 : vector<256x256xf32>
      %logistic3A_153 = arith.constant 1.000000e+00 : f32
      %logistic3A_154 = vector.broadcast %logistic3A_153 : f32 to vector<256x256xf32>
      %logistic3A_155 = arith.addf %logistic3A_154, %logistic3A_152 : vector<256x256xf32>
      %logistic3A_156 = arith.divf %logistic3A_154, %logistic3A_155 : vector<256x256xf32>
      %mul3A_157 = arith.mulf %get3A_150, %logistic3A_156 : vector<256x256xf32>
      %dot_general3A_158 = arith.constant dense<0.000000e+00> : vector<128x256xf32>
      %dot_general3A_159 = tpu.matmul %get3A_13, %mul3A_157, %dot_general3A_158 {dimension_numbers = #tpu.dot_dimension_numbers<[1], [0], [0], [1], [0, 0, 1, 1], [], []>, transpose_lhs_hint = false} : vector<128x256xf32>, vector<256x256xf32>, vector<128x256xf32> -> vector<128x256xf32>
      %add3A_160 = vector.broadcast %get3A_16 : vector<128x1xf32> to vector<128x256xf32>
      %add3A_161 = arith.addf %dot_general3A_159, %add3A_160 : vector<128x256xf32>
      %slice3A_162 = vector.extract_strided_slice %add3A_161 {offsets = [0, 0], sizes = [64, 256], strides = [1, 1]} : vector<128x256xf32> to vector<64x256xf32>
      %reduce_sum3A_163 = vector.shape_cast %slice3A_162 : vector<64x256xf32> to vector<1x64x256xf32>
      %reduce_sum3A_164 = arith.constant dense<0.000000e+00> : vector<1xf32>
      %reduce_sum3A_165 = vector.multi_reduction <add>, %reduce_sum3A_163, %reduce_sum3A_164 [1, 2] : vector<1x64x256xf32> to vector<1xf32>
      %reduce_sum3A_166 = vector.shape_cast %reduce_sum3A_165 : vector<1xf32> to vector<1x1x1xf32>
      %reduce_sum3A_167 = vector.extract %reduce_sum3A_166[0, 0, 0] : f32 from vector<1x1x1xf32>
      %div3A_168 = arith.constant 1.638400e+04 : f32
      %div3A_169 = arith.divf %reduce_sum3A_167, %div3A_168 : f32
      %sub3A_170 = vector.broadcast %div3A_169 : f32 to vector<64x256xf32>
      %sub3A_171 = arith.subf %slice3A_162, %sub3A_170 : vector<64x256xf32>
      %integer_pow3A_172 = arith.mulf %sub3A_171, %sub3A_171 : vector<64x256xf32>
      %reduce_sum3A_173 = vector.shape_cast %integer_pow3A_172 : vector<64x256xf32> to vector<1x64x256xf32>
      %reduce_sum3A_174 = arith.constant dense<0.000000e+00> : vector<1xf32>
      %reduce_sum3A_175 = vector.multi_reduction <add>, %reduce_sum3A_173, %reduce_sum3A_174 [1, 2] : vector<1x64x256xf32> to vector<1xf32>
      %reduce_sum3A_176 = vector.shape_cast %reduce_sum3A_175 : vector<1xf32> to vector<1x1x1xf32>
      %reduce_sum3A_177 = vector.extract %reduce_sum3A_176[0, 0, 0] : f32 from vector<1x1x1xf32>
      %div3A_178 = arith.constant 1.638400e+04 : f32
      %div3A_179 = arith.divf %reduce_sum3A_177, %div3A_178 : f32
      %sub3A_180 = vector.broadcast %div3A_169 : f32 to vector<64x256xf32>
      %sub3A_181 = arith.subf %slice3A_162, %sub3A_180 : vector<64x256xf32>
      %add3A_182 = arith.constant 9.99999974E-6 : f32
      %add3A_183 = arith.addf %div3A_179, %add3A_182 : f32
      %rsqrt3A_184 = math.rsqrt %add3A_183 : f32
      %mul3A_185 = vector.broadcast %rsqrt3A_184 : f32 to vector<64x256xf32>
      %mul3A_186 = arith.mulf %sub3A_181, %mul3A_185 : vector<64x256xf32>
      %get3A_187 = arith.constant 0 : index
      %get3A_188 = arith.constant 0 : index
      %get3A_189 = vector.load %arg4[%get3A_187, %get3A_188] : memref<64x256xf32, #tpu.memory_space<vmem>>, vector<64x256xf32>
      %mul3A_190 = arith.mulf %mul3A_186, %get3A_189 : vector<64x256xf32>
      %get3A_191 = arith.constant 0 : index
      %get3A_192 = arith.constant 0 : index
      %get3A_193 = vector.load %arg5[%get3A_191, %get3A_192] : memref<64x256xf32, #tpu.memory_space<vmem>>, vector<64x256xf32>
      %add3A_194 = arith.addf %mul3A_190, %get3A_193 : vector<64x256xf32>
      %convert_element_type3A_195 = arith.truncf %add3A_194 : vector<64x256xf32> to vector<64x256xbf16>
      %swap3A_196 = arith.constant 2 : index
      %swap3A_197 = arith.constant 0 : index
      %swap3A_198 = arith.constant 0 : index
      %swap3A_199 = vector.load %arg11[%swap3A_196, %swap3A_197, %swap3A_198] : memref<16x64x256xbf16, #tpu.memory_space<vmem>>, vector<1x64x256xbf16>
      %swap3A_200 = vector.shape_cast %swap3A_199 : vector<1x64x256xbf16> to vector<64x256xbf16>
      %swap3A_201 = vector.shape_cast %convert_element_type3A_195 : vector<64x256xbf16> to vector<1x64x256xbf16>
      tpu.vector_store %arg11[%swap3A_196, %swap3A_197, %swap3A_198], %swap3A_201 {strides = array<i32>} : memref<16x64x256xbf16, #tpu.memory_space<vmem>>, vector<1x64x256xbf16>,
      %slice3A_202 = vector.extract_strided_slice %add3A_161 {offsets = [64, 0], sizes = [64, 256], strides = [1, 1]} : vector<128x256xf32> to vector<64x256xf32>
      %logistic3A_203 = arith.negf %slice3A_202 : vector<64x256xf32>
      %logistic3A_204 = math.exp %logistic3A_203 : vector<64x256xf32>
      %logistic3A_205 = arith.constant 1.000000e+00 : f32
      %logistic3A_206 = vector.broadcast %logistic3A_205 : f32 to vector<64x256xf32>
      %logistic3A_207 = arith.addf %logistic3A_206, %logistic3A_204 : vector<64x256xf32>
      %logistic3A_208 = arith.divf %logistic3A_206, %logistic3A_207 : vector<64x256xf32>
      %mul3A_209 = arith.mulf %slice3A_202, %logistic3A_208 : vector<64x256xf32>
      %swap3A_210 = arith.constant 2 : index
      %swap3A_211 = arith.constant 0 : index
      %swap3A_212 = arith.constant 0 : index
      %swap3A_213 = vector.load %arg10[%swap3A_210, %swap3A_211, %swap3A_212] : memref<16x64x256xf32, #tpu.memory_space<vmem>>, vector<1x64x256xf32>
      %swap3A_214 = vector.shape_cast %swap3A_213 : vector<1x64x256xf32> to vector<64x256xf32>
      %swap3A_215 = vector.shape_cast %mul3A_209 : vector<64x256xf32> to vector<1x64x256xf32>
      tpu.vector_store %arg10[%swap3A_210, %swap3A_211, %swap3A_212], %swap3A_215 {strides = array<i32>} : memref<16x64x256xf32, #tpu.memory_space<vmem>>, vector<1x64x256xf32>,
      %get3A_216 = arith.constant 3 : index
      %get3A_217 = arith.constant 0 : index
      %get3A_218 = arith.constant 0 : index
      %get3A_219 = vector.load %arg1[%get3A_216, %get3A_217, %get3A_218] : memref<16x256x256xf32, #tpu.memory_space<vmem>>, vector<1x256x256xf32>
      %get3A_220 = vector.shape_cast %get3A_219 : vector<1x256x256xf32> to vector<256x256xf32>
      %logistic3A_221 = arith.negf %get3A_220 : vector<256x256xf32>
      %logistic3A_222 = math.exp %logistic3A_221 : vector<256x256xf32>
      %logistic3A_223 = arith.constant 1.000000e+00 : f32
      %logistic3A_224 = vector.broadcast %logistic3A_223 : f32 to vector<256x256xf32>
      %logistic3A_225 = arith.addf %logistic3A_224, %logistic3A_222 : vector<256x256xf32>
      %logistic3A_226 = arith.divf %logistic3A_224, %logistic3A_225 : vector<256x256xf32>
      %mul3A_227 = arith.mulf %get3A_220, %logistic3A_226 : vector<256x256xf32>
      %dot_general3A_228 = arith.constant dense<0.000000e+00> : vector<128x256xf32>
      %dot_general3A_229 = tpu.matmul %get3A_13, %mul3A_227, %dot_general3A_228 {dimension_numbers = #tpu.dot_dimension_numbers<[1], [0], [0], [1], [0, 0, 1, 1], [], []>, transpose_lhs_hint = false} : vector<128x256xf32>, vector<256x256xf32>, vector<128x256xf32> -> vector<128x256xf32>
      %add3A_230 = vector.broadcast %get3A_16 : vector<128x1xf32> to vector<128x256xf32>
      %add3A_231 = arith.addf %dot_general3A_229, %add3A_230 : vector<128x256xf32>
      %slice3A_232 = vector.extract_strided_slice %add3A_231 {offsets = [0, 0], sizes = [64, 256], strides = [1, 1]} : vector<128x256xf32> to vector<64x256xf32>
      %reduce_sum3A_233 = vector.shape_cast %slice3A_232 : vector<64x256xf32> to vector<1x64x256xf32>
      %reduce_sum3A_234 = arith.constant dense<0.000000e+00> : vector<1xf32>
      %reduce_sum3A_235 = vector.multi_reduction <add>, %reduce_sum3A_233, %reduce_sum3A_234 [1, 2] : vector<1x64x256xf32> to vector<1xf32>
      %reduce_sum3A_236 = vector.shape_cast %reduce_sum3A_235 : vector<1xf32> to vector<1x1x1xf32>
      %reduce_sum3A_237 = vector.extract %reduce_sum3A_236[0, 0, 0] : f32 from vector<1x1x1xf32>
      %div3A_238 = arith.constant 1.638400e+04 : f32
      %div3A_239 = arith.divf %reduce_sum3A_237, %div3A_238 : f32
      %sub3A_240 = vector.broadcast %div3A_239 : f32 to vector<64x256xf32>
      %sub3A_241 = arith.subf %slice3A_232, %sub3A_240 : vector<64x256xf32>
      %integer_pow3A_242 = arith.mulf %sub3A_241, %sub3A_241 : vector<64x256xf32>
      %reduce_sum3A_243 = vector.shape_cast %integer_pow3A_242 : vector<64x256xf32> to vector<1x64x256xf32>
      %reduce_sum3A_244 = arith.constant dense<0.000000e+00> : vector<1xf32>
      %reduce_sum3A_245 = vector.multi_reduction <add>, %reduce_sum3A_243, %reduce_sum3A_244 [1, 2] : vector<1x64x256xf32> to vector<1xf32>
      %reduce_sum3A_246 = vector.shape_cast %reduce_sum3A_245 : vector<1xf32> to vector<1x1x1xf32>
      %reduce_sum3A_247 = vector.extract %reduce_sum3A_246[0, 0, 0] : f32 from vector<1x1x1xf32>
      %div3A_248 = arith.constant 1.638400e+04 : f32
      %div3A_249 = arith.divf %reduce_sum3A_247, %div3A_248 : f32
      %sub3A_250 = vector.broadcast %div3A_239 : f32 to vector<64x256xf32>
      %sub3A_251 = arith.subf %slice3A_232, %sub3A_250 : vector<64x256xf32>
      %add3A_252 = arith.constant 9.99999974E-6 : f32
      %add3A_253 = arith.addf %div3A_249, %add3A_252 : f32
      %rsqrt3A_254 = math.rsqrt %add3A_253 : f32
      %mul3A_255 = vector.broadcast %rsqrt3A_254 : f32 to vector<64x256xf32>
      %mul3A_256 = arith.mulf %sub3A_251, %mul3A_255 : vector<64x256xf32>
      %get3A_257 = arith.constant 0 : index
      %get3A_258 = arith.constant 0 : index
      %get3A_259 = vector.load %arg4[%get3A_257, %get3A_258] : memref<64x256xf32, #tpu.memory_space<vmem>>, vector<64x256xf32>
      %mul3A_260 = arith.mulf %mul3A_256, %get3A_259 : vector<64x256xf32>
      %get3A_261 = arith.constant 0 : index
      %get3A_262 = arith.constant 0 : index
      %get3A_263 = vector.load %arg5[%get3A_261, %get3A_262] : memref<64x256xf32, #tpu.memory_space<vmem>>, vector<64x256xf32>
      %add3A_264 = arith.addf %mul3A_260, %get3A_263 : vector<64x256xf32>
      %convert_element_type3A_265 = arith.truncf %add3A_264 : vector<64x256xf32> to vector<64x256xbf16>
      %swap3A_266 = arith.constant 3 : index
      %swap3A_267 = arith.constant 0 : index
      %swap3A_268 = arith.constant 0 : index
      %swap3A_269 = vector.load %arg11[%swap3A_266, %swap3A_267, %swap3A_268] : memref<16x64x256xbf16, #tpu.memory_space<vmem>>, vector<1x64x256xbf16>
      %swap3A_270 = vector.shape_cast %swap3A_269 : vector<1x64x256xbf16> to vector<64x256xbf16>
      %swap3A_271 = vector.shape_cast %convert_element_type3A_265 : vector<64x256xbf16> to vector<1x64x256xbf16>
      tpu.vector_store %arg11[%swap3A_266, %swap3A_267, %swap3A_268], %swap3A_271 {strides = array<i32>} : memref<16x64x256xbf16, #tpu.memory_space<vmem>>, vector<1x64x256xbf16>,
      %slice3A_272 = vector.extract_strided_slice %add3A_231 {offsets = [64, 0], sizes = [64, 256], strides = [1, 1]} : vector<128x256xf32> to vector<64x256xf32>
      %logistic3A_273 = arith.negf %slice3A_272 : vector<64x256xf32>
      %logistic3A_274 = math.exp %logistic3A_273 : vector<64x256xf32>
      %logistic3A_275 = arith.constant 1.000000e+00 : f32
      %logistic3A_276 = vector.broadcast %logistic3A_275 : f32 to vector<64x256xf32>
      %logistic3A_277 = arith.addf %logistic3A_276, %logistic3A_274 : vector<64x256xf32>
      %logistic3A_278 = arith.divf %logistic3A_276, %logistic3A_277 : vector<64x256xf32>
      %mul3A_279 = arith.mulf %slice3A_272, %logistic3A_278 : vector<64x256xf32>
      %swap3A_280 = arith.constant 3 : index
      %swap3A_281 = arith.constant 0 : index
      %swap3A_282 = arith.constant 0 : index
      %swap3A_283 = vector.load %arg10[%swap3A_280, %swap3A_281, %swap3A_282] : memref<16x64x256xf32, #tpu.memory_space<vmem>>, vector<1x64x256xf32>
      %swap3A_284 = vector.shape_cast %swap3A_283 : vector<1x64x256xf32> to vector<64x256xf32>
      %swap3A_285 = vector.shape_cast %mul3A_279 : vector<64x256xf32> to vector<1x64x256xf32>
      tpu.vector_store %arg10[%swap3A_280, %swap3A_281, %swap3A_282], %swap3A_285 {strides = array<i32>} : memref<16x64x256xf32, #tpu.memory_space<vmem>>, vector<1x64x256xf32>,
      %get3A_286 = arith.constant 4 : index
      %get3A_287 = arith.constant 0 : index
      %get3A_288 = arith.constant 0 : index
      %get3A_289 = vector.load %arg1[%get3A_286, %get3A_287, %get3A_288] : memref<16x256x256xf32, #tpu.memory_space<vmem>>, vector<1x256x256xf32>
      %get3A_290 = vector.shape_cast %get3A_289 : vector<1x256x256xf32> to vector<256x256xf32>
      %logistic3A_291 = arith.negf %get3A_290 : vector<256x256xf32>
      %logistic3A_292 = math.exp %logistic3A_291 : vector<256x256xf32>
      %logistic3A_293 = arith.constant 1.000000e+00 : f32
      %logistic3A_294 = vector.broadcast %logistic3A_293 : f32 to vector<256x256xf32>
      %logistic3A_295 = arith.addf %logistic3A_294, %logistic3A_292 : vector<256x256xf32>
      %logistic3A_296 = arith.divf %logistic3A_294, %logistic3A_295 : vector<256x256xf32>
      %mul3A_297 = arith.mulf %get3A_290, %logistic3A_296 : vector<256x256xf32>
      %dot_general3A_298 = arith.constant dense<0.000000e+00> : vector<128x256xf32>
      %dot_general3A_299 = tpu.matmul %get3A_13, %mul3A_297, %dot_general3A_298 {dimension_numbers = #tpu.dot_dimension_numbers<[1], [0], [0], [1], [0, 0, 1, 1], [], []>, transpose_lhs_hint = false} : vector<128x256xf32>, vector<256x256xf32>, vector<128x256xf32> -> vector<128x256xf32>
      %add3A_300 = vector.broadcast %get3A_16 : vector<128x1xf32> to vector<128x256xf32>
      %add3A_301 = arith.addf %dot_general3A_299, %add3A_300 : vector<128x256xf32>
      %slice3A_302 = vector.extract_strided_slice %add3A_301 {offsets = [0, 0], sizes = [64, 256], strides = [1, 1]} : vector<128x256xf32> to vector<64x256xf32>
      %reduce_sum3A_303 = vector.shape_cast %slice3A_302 : vector<64x256xf32> to vector<1x64x256xf32>
      %reduce_sum3A_304 = arith.constant dense<0.000000e+00> : vector<1xf32>
      %reduce_sum3A_305 = vector.multi_reduction <add>, %reduce_sum3A_303, %reduce_sum3A_304 [1, 2] : vector<1x64x256xf32> to vector<1xf32>
      %reduce_sum3A_306 = vector.shape_cast %reduce_sum3A_305 : vector<1xf32> to vector<1x1x1xf32>
      %reduce_sum3A_307 = vector.extract %reduce_sum3A_306[0, 0, 0] : f32 from vector<1x1x1xf32>
      %div3A_308 = arith.constant 1.638400e+04 : f32
      %div3A_309 = arith.divf %reduce_sum3A_307, %div3A_308 : f32
      %sub3A_310 = vector.broadcast %div3A_309 : f32 to vector<64x256xf32>
      %sub3A_311 = arith.subf %slice3A_302, %sub3A_310 : vector<64x256xf32>
      %integer_pow3A_312 = arith.mulf %sub3A_311, %sub3A_311 : vector<64x256xf32>
      %reduce_sum3A_313 = vector.shape_cast %integer_pow3A_312 : vector<64x256xf32> to vector<1x64x256xf32>
      %reduce_sum3A_314 = arith.constant dense<0.000000e+00> : vector<1xf32>
      %reduce_sum3A_315 = vector.multi_reduction <add>, %reduce_sum3A_313, %reduce_sum3A_314 [1, 2] : vector<1x64x256xf32> to vector<1xf32>
      %reduce_sum3A_316 = vector.shape_cast %reduce_sum3A_315 : vector<1xf32> to vector<1x1x1xf32>
      %reduce_sum3A_317 = vector.extract %reduce_sum3A_316[0, 0, 0] : f32 from vector<1x1x1xf32>
      %div3A_318 = arith.constant 1.638400e+04 : f32
      %div3A_319 = arith.divf %reduce_sum3A_317, %div3A_318 : f32
      %sub3A_320 = vector.broadcast %div3A_309 : f32 to vector<64x256xf32>
      %sub3A_321 = arith.subf %slice3A_302, %sub3A_320 : vector<64x256xf32>
      %add3A_322 = arith.constant 9.99999974E-6 : f32
      %add3A_323 = arith.addf %div3A_319, %add3A_322 : f32
      %rsqrt3A_324 = math.rsqrt %add3A_323 : f32
      %mul3A_325 = vector.broadcast %rsqrt3A_324 : f32 to vector<64x256xf32>
      %mul3A_326 = arith.mulf %sub3A_321, %mul3A_325 : vector<64x256xf32>
      %get3A_327 = arith.constant 0 : index
      %get3A_328 = arith.constant 0 : index
      %get3A_329 = vector.load %arg4[%get3A_327, %get3A_328] : memref<64x256xf32, #tpu.memory_space<vmem>>, vector<64x256xf32>
      %mul3A_330 = arith.mulf %mul3A_326, %get3A_329 : vector<64x256xf32>
      %get3A_331 = arith.constant 0 : index
      %get3A_332 = arith.constant 0 : index
      %get3A_333 = vector.load %arg5[%get3A_331, %get3A_332] : memref<64x256xf32, #tpu.memory_space<vmem>>, vector<64x256xf32>
      %add3A_334 = arith.addf %mul3A_330, %get3A_333 : vector<64x256xf32>
      %convert_element_type3A_335 = arith.truncf %add3A_334 : vector<64x256xf32> to vector<64x256xbf16>
      %swap3A_336 = arith.constant 4 : index
      %swap3A_337 = arith.constant 0 : index
      %swap3A_338 = arith.constant 0 : index
      %swap3A_339 = vector.load %arg11[%swap3A_336, %swap3A_337, %swap3A_338] : memref<16x64x256xbf16, #tpu.memory_space<vmem>>, vector<1x64x256xbf16>
      %swap3A_340 = vector.shape_cast %swap3A_339 : vector<1x64x256xbf16> to vector<64x256xbf16>
      %swap3A_341 = vector.shape_cast %convert_element_type3A_335 : vector<64x256xbf16> to vector<1x64x256xbf16>
      tpu.vector_store %arg11[%swap3A_336, %swap3A_337, %swap3A_338], %swap3A_341 {strides = array<i32>} : memref<16x64x256xbf16, #tpu.memory_space<vmem>>, vector<1x64x256xbf16>,
      %slice3A_342 = vector.extract_strided_slice %add3A_301 {offsets = [64, 0], sizes = [64, 256], strides = [1, 1]} : vector<128x256xf32> to vector<64x256xf32>
      %logistic3A_343 = arith.negf %slice3A_342 : vector<64x256xf32>
      %logistic3A_344 = math.exp %logistic3A_343 : vector<64x256xf32>
      %logistic3A_345 = arith.constant 1.000000e+00 : f32
      %logistic3A_346 = vector.broadcast %logistic3A_345 : f32 to vector<64x256xf32>
      %logistic3A_347 = arith.addf %logistic3A_346, %logistic3A_344 : vector<64x256xf32>
      %logistic3A_348 = arith.divf %logistic3A_346, %logistic3A_347 : vector<64x256xf32>
      %mul3A_349 = arith.mulf %slice3A_342, %logistic3A_348 : vector<64x256xf32>
      %swap3A_350 = arith.constant 4 : index
      %swap3A_351 = arith.constant 0 : index
      %swap3A_352 = arith.constant 0 : index
      %swap3A_353 = vector.load %arg10[%swap3A_350, %swap3A_351, %swap3A_352] : memref<16x64x256xf32, #tpu.memory_space<vmem>>, vector<1x64x256xf32>
      %swap3A_354 = vector.shape_cast %swap3A_353 : vector<1x64x256xf32> to vector<64x256xf32>
      %swap3A_355 = vector.shape_cast %mul3A_349 : vector<64x256xf32> to vector<1x64x256xf32>
      tpu.vector_store %arg10[%swap3A_350, %swap3A_351, %swap3A_352], %swap3A_355 {strides = array<i32>} : memref<16x64x256xf32, #tpu.memory_space<vmem>>, vector<1x64x256xf32>,
      %get3A_356 = arith.constant 5 : index
      %get3A_357 = arith.constant 0 : index
      %get3A_358 = arith.constant 0 : index
      %get3A_359 = vector.load %arg1[%get3A_356, %get3A_357, %get3A_358] : memref<16x256x256xf32, #tpu.memory_space<vmem>>, vector<1x256x256xf32>
      %get3A_360 = vector.shape_cast %get3A_359 : vector<1x256x256xf32> to vector<256x256xf32>
      %logistic3A_361 = arith.negf %get3A_360 : vector<256x256xf32>
      %logistic3A_362 = math.exp %logistic3A_361 : vector<256x256xf32>
      %logistic3A_363 = arith.constant 1.000000e+00 : f32
      %logistic3A_364 = vector.broadcast %logistic3A_363 : f32 to vector<256x256xf32>
      %logistic3A_365 = arith.addf %logistic3A_364, %logistic3A_362 : vector<256x256xf32>
      %logistic3A_366 = arith.divf %logistic3A_364, %logistic3A_365 : vector<256x256xf32>
      %mul3A_367 = arith.mulf %get3A_360, %logistic3A_366 : vector<256x256xf32>
      %dot_general3A_368 = arith.constant dense<0.000000e+00> : vector<128x256xf32>
      %dot_general3A_369 = tpu.matmul %get3A_13, %mul3A_367, %dot_general3A_368 {dimension_numbers = #tpu.dot_dimension_numbers<[1], [0], [0], [1], [0, 0, 1, 1], [], []>, transpose_lhs_hint = false} : vector<128x256xf32>, vector<256x256xf32>, vector<128x256xf32> -> vector<128x256xf32>
      %add3A_370 = vector.broadcast %get3A_16 : vector<128x1xf32> to vector<128x256xf32>
      %add3A_371 = arith.addf %dot_general3A_369, %add3A_370 : vector<128x256xf32>
      %slice3A_372 = vector.extract_strided_slice %add3A_371 {offsets = [0, 0], sizes = [64, 256], strides = [1, 1]} : vector<128x256xf32> to vector<64x256xf32>
      %reduce_sum3A_373 = vector.shape_cast %slice3A_372 : vector<64x256xf32> to vector<1x64x256xf32>
      %reduce_sum3A_374 = arith.constant dense<0.000000e+00> : vector<1xf32>
      %reduce_sum3A_375 = vector.multi_reduction <add>, %reduce_sum3A_373, %reduce_sum3A_374 [1, 2] : vector<1x64x256xf32> to vector<1xf32>
      %reduce_sum3A_376 = vector.shape_cast %reduce_sum3A_375 : vector<1xf32> to vector<1x1x1xf32>
      %reduce_sum3A_377 = vector.extract %reduce_sum3A_376[0, 0, 0] : f32 from vector<1x1x1xf32>
      %div3A_378 = arith.constant 1.638400e+04 : f32
      %div3A_379 = arith.divf %reduce_sum3A_377, %div3A_378 : f32
      %sub3A_380 = vector.broadcast %div3A_379 : f32 to vector<64x256xf32>
      %sub3A_381 = arith.subf %slice3A_372, %sub3A_380 : vector<64x256xf32>
      %integer_pow3A_382 = arith.mulf %sub3A_381, %sub3A_381 : vector<64x256xf32>
      %reduce_sum3A_383 = vector.shape_cast %integer_pow3A_382 : vector<64x256xf32> to vector<1x64x256xf32>
      %reduce_sum3A_384 = arith.constant dense<0.000000e+00> : vector<1xf32>
      %reduce_sum3A_385 = vector.multi_reduction <add>, %reduce_sum3A_383, %reduce_sum3A_384 [1, 2] : vector<1x64x256xf32> to vector<1xf32>
      %reduce_sum3A_386 = vector.shape_cast %reduce_sum3A_385 : vector<1xf32> to vector<1x1x1xf32>
      %reduce_sum3A_387 = vector.extract %reduce_sum3A_386[0, 0, 0] : f32 from vector<1x1x1xf32>
      %div3A_388 = arith.constant 1.638400e+04 : f32
      %div3A_389 = arith.divf %reduce_sum3A_387, %div3A_388 : f32
      %sub3A_390 = vector.broadcast %div3A_379 : f32 to vector<64x256xf32>
      %sub3A_391 = arith.subf %slice3A_372, %sub3A_390 : vector<64x256xf32>
      %add3A_392 = arith.constant 9.99999974E-6 : f32
      %add3A_393 = arith.addf %div3A_389, %add3A_392 : f32
      %rsqrt3A_394 = math.rsqrt %add3A_393 : f32
      %mul3A_395 = vector.broadcast %rsqrt3A_394 : f32 to vector<64x256xf32>
      %mul3A_396 = arith.mulf %sub3A_391, %mul3A_395 : vector<64x256xf32>
      %get3A_397 = arith.constant 0 : index
      %get3A_398 = arith.constant 0 : index
      %get3A_399 = vector.load %arg4[%get3A_397, %get3A_398] : memref<64x256xf32, #tpu.memory_space<vmem>>, vector<64x256xf32>
      %mul3A_400 = arith.mulf %mul3A_396, %get3A_399 : vector<64x256xf32>
      %get3A_401 = arith.constant 0 : index
      %get3A_402 = arith.constant 0 : index
      %get3A_403 = vector.load %arg5[%get3A_401, %get3A_402] : memref<64x256xf32, #tpu.memory_space<vmem>>, vector<64x256xf32>
      %add3A_404 = arith.addf %mul3A_400, %get3A_403 : vector<64x256xf32>
      %convert_element_type3A_405 = arith.truncf %add3A_404 : vector<64x256xf32> to vector<64x256xbf16>
      %swap3A_406 = arith.constant 5 : index
      %swap3A_407 = arith.constant 0 : index
      %swap3A_408 = arith.constant 0 : index
      %swap3A_409 = vector.load %arg11[%swap3A_406, %swap3A_407, %swap3A_408] : memref<16x64x256xbf16, #tpu.memory_space<vmem>>, vector<1x64x256xbf16>
      %swap3A_410 = vector.shape_cast %swap3A_409 : vector<1x64x256xbf16> to vector<64x256xbf16>
      %swap3A_411 = vector.shape_cast %convert_element_type3A_405 : vector<64x256xbf16> to vector<1x64x256xbf16>
      tpu.vector_store %arg11[%swap3A_406, %swap3A_407, %swap3A_408], %swap3A_411 {strides = array<i32>} : memref<16x64x256xbf16, #tpu.memory_space<vmem>>, vector<1x64x256xbf16>,
      %slice3A_412 = vector.extract_strided_slice %add3A_371 {offsets = [64, 0], sizes = [64, 256], strides = [1, 1]} : vector<128x256xf32> to vector<64x256xf32>
      %logistic3A_413 = arith.negf %slice3A_412 : vector<64x256xf32>
      %logistic3A_414 = math.exp %logistic3A_413 : vector<64x256xf32>
      %logistic3A_415 = arith.constant 1.000000e+00 : f32
      %logistic3A_416 = vector.broadcast %logistic3A_415 : f32 to vector<64x256xf32>
      %logistic3A_417 = arith.addf %logistic3A_416, %logistic3A_414 : vector<64x256xf32>
      %logistic3A_418 = arith.divf %logistic3A_416, %logistic3A_417 : vector<64x256xf32>
      %mul3A_419 = arith.mulf %slice3A_412, %logistic3A_418 : vector<64x256xf32>
      %swap3A_420 = arith.constant 5 : index
      %swap3A_421 = arith.constant 0 : index
      %swap3A_422 = arith.constant 0 : index
      %swap3A_423 = vector.load %arg10[%swap3A_420, %swap3A_421, %swap3A_422] : memref<16x64x256xf32, #tpu.memory_space<vmem>>, vector<1x64x256xf32>
      %swap3A_424 = vector.shape_cast %swap3A_423 : vector<1x64x256xf32> to vector<64x256xf32>
      %swap3A_425 = vector.shape_cast %mul3A_419 : vector<64x256xf32> to vector<1x64x256xf32>
      tpu.vector_store %arg10[%swap3A_420, %swap3A_421, %swap3A_422], %swap3A_425 {strides = array<i32>} : memref<16x64x256xf32, #tpu.memory_space<vmem>>, vector<1x64x256xf32>,
      %get3A_426 = arith.constant 6 : index
      %get3A_427 = arith.constant 0 : index
      %get3A_428 = arith.constant 0 : index
      %get3A_429 = vector.load %arg1[%get3A_426, %get3A_427, %get3A_428] : memref<16x256x256xf32, #tpu.memory_space<vmem>>, vector<1x256x256xf32>
      %get3A_430 = vector.shape_cast %get3A_429 : vector<1x256x256xf32> to vector<256x256xf32>
      %logistic3A_431 = arith.negf %get3A_430 : vector<256x256xf32>
      %logistic3A_432 = math.exp %logistic3A_431 : vector<256x256xf32>
      %logistic3A_433 = arith.constant 1.000000e+00 : f32
      %logistic3A_434 = vector.broadcast %logistic3A_433 : f32 to vector<256x256xf32>
      %logistic3A_435 = arith.addf %logistic3A_434, %logistic3A_432 : vector<256x256xf32>
      %logistic3A_436 = arith.divf %logistic3A_434, %logistic3A_435 : vector<256x256xf32>
      %mul3A_437 = arith.mulf %get3A_430, %logistic3A_436 : vector<256x256xf32>
      %dot_general3A_438 = arith.constant dense<0.000000e+00> : vector<128x256xf32>
      %dot_general3A_439 = tpu.matmul %get3A_13, %mul3A_437, %dot_general3A_438 {dimension_numbers = #tpu.dot_dimension_numbers<[1], [0], [0], [1], [0, 0, 1, 1], [], []>, transpose_lhs_hint = false} : vector<128x256xf32>, vector<256x256xf32>, vector<128x256xf32> -> vector<128x256xf32>
      %add3A_440 = vector.broadcast %get3A_16 : vector<128x1xf32> to vector<128x256xf32>
      %add3A_441 = arith.addf %dot_general3A_439, %add3A_440 : vector<128x256xf32>
      %slice3A_442 = vector.extract_strided_slice %add3A_441 {offsets = [0, 0], sizes = [64, 256], strides = [1, 1]} : vector<128x256xf32> to vector<64x256xf32>
      %reduce_sum3A_443 = vector.shape_cast %slice3A_442 : vector<64x256xf32> to vector<1x64x256xf32>
      %reduce_sum3A_444 = arith.constant dense<0.000000e+00> : vector<1xf32>
      %reduce_sum3A_445 = vector.multi_reduction <add>, %reduce_sum3A_443, %reduce_sum3A_444 [1, 2] : vector<1x64x256xf32> to vector<1xf32>
      %reduce_sum3A_446 = vector.shape_cast %reduce_sum3A_445 : vector<1xf32> to vector<1x1x1xf32>
      %reduce_sum3A_447 = vector.extract %reduce_sum3A_446[0, 0, 0] : f32 from vector<1x1x1xf32>
      %div3A_448 = arith.constant 1.638400e+04 : f32
      %div3A_449 = arith.divf %reduce_sum3A_447, %div3A_448 : f32
      %sub3A_450 = vector.broadcast %div3A_449 : f32 to vector<64x256xf32>
      %sub3A_451 = arith.subf %slice3A_442, %sub3A_450 : vector<64x256xf32>
      %integer_pow3A_452 = arith.mulf %sub3A_451, %sub3A_451 : vector<64x256xf32>
      %reduce_sum3A_453 = vector.shape_cast %integer_pow3A_452 : vector<64x256xf32> to vector<1x64x256xf32>
      %reduce_sum3A_454 = arith.constant dense<0.000000e+00> : vector<1xf32>
      %reduce_sum3A_455 = vector.multi_reduction <add>, %reduce_sum3A_453, %reduce_sum3A_454 [1, 2] : vector<1x64x256xf32> to vector<1xf32>
      %reduce_sum3A_456 = vector.shape_cast %reduce_sum3A_455 : vector<1xf32> to vector<1x1x1xf32>
      %reduce_sum3A_457 = vector.extract %reduce_sum3A_456[0, 0, 0] : f32 from vector<1x1x1xf32>
      %div3A_458 = arith.constant 1.638400e+04 : f32
      %div3A_459 = arith.divf %reduce_sum3A_457, %div3A_458 : f32
      %sub3A_460 = vector.broadcast %div3A_449 : f32 to vector<64x256xf32>
      %sub3A_461 = arith.subf %slice3A_442, %sub3A_460 : vector<64x256xf32>
      %add3A_462 = arith.constant 9.99999974E-6 : f32
      %add3A_463 = arith.addf %div3A_459, %add3A_462 : f32
      %rsqrt3A_464 = math.rsqrt %add3A_463 : f32
      %mul3A_465 = vector.broadcast %rsqrt3A_464 : f32 to vector<64x256xf32>
      %mul3A_466 = arith.mulf %sub3A_461, %mul3A_465 : vector<64x256xf32>
      %get3A_467 = arith.constant 0 : index
      %get3A_468 = arith.constant 0 : index
      %get3A_469 = vector.load %arg4[%get3A_467, %get3A_468] : memref<64x256xf32, #tpu.memory_space<vmem>>, vector<64x256xf32>
      %mul3A_470 = arith.mulf %mul3A_466, %get3A_469 : vector<64x256xf32>
      %get3A_471 = arith.constant 0 : index
      %get3A_472 = arith.constant 0 : index
      %get3A_473 = vector.load %arg5[%get3A_471, %get3A_472] : memref<64x256xf32, #tpu.memory_space<vmem>>, vector<64x256xf32>
      %add3A_474 = arith.addf %mul3A_470, %get3A_473 : vector<64x256xf32>
      %convert_element_type3A_475 = arith.truncf %add3A_474 : vector<64x256xf32> to vector<64x256xbf16>
      %swap3A_476 = arith.constant 6 : index
      %swap3A_477 = arith.constant 0 : index
      %swap3A_478 = arith.constant 0 : index
      %swap3A_479 = vector.load %arg11[%swap3A_476, %swap3A_477, %swap3A_478] : memref<16x64x256xbf16, #tpu.memory_space<vmem>>, vector<1x64x256xbf16>
      %swap3A_480 = vector.shape_cast %swap3A_479 : vector<1x64x256xbf16> to vector<64x256xbf16>
      %swap3A_481 = vector.shape_cast %convert_element_type3A_475 : vector<64x256xbf16> to vector<1x64x256xbf16>
      tpu.vector_store %arg11[%swap3A_476, %swap3A_477, %swap3A_478], %swap3A_481 {strides = array<i32>} : memref<16x64x256xbf16, #tpu.memory_space<vmem>>, vector<1x64x256xbf16>,
      %slice3A_482 = vector.extract_strided_slice %add3A_441 {offsets = [64, 0], sizes = [64, 256], strides = [1, 1]} : vector<128x256xf32> to vector<64x256xf32>
      %logistic3A_483 = arith.negf %slice3A_482 : vector<64x256xf32>
      %logistic3A_484 = math.exp %logistic3A_483 : vector<64x256xf32>
      %logistic3A_485 = arith.constant 1.000000e+00 : f32
      %logistic3A_486 = vector.broadcast %logistic3A_485 : f32 to vector<64x256xf32>
      %logistic3A_487 = arith.addf %logistic3A_486, %logistic3A_484 : vector<64x256xf32>
      %logistic3A_488 = arith.divf %logistic3A_486, %logistic3A_487 : vector<64x256xf32>
      %mul3A_489 = arith.mulf %slice3A_482, %logistic3A_488 : vector<64x256xf32>
      %swap3A_490 = arith.constant 6 : index
      %swap3A_491 = arith.constant 0 : index
      %swap3A_492 = arith.constant 0 : index
      %swap3A_493 = vector.load %arg10[%swap3A_490, %swap3A_491, %swap3A_492] : memref<16x64x256xf32, #tpu.memory_space<vmem>>, vector<1x64x256xf32>
      %swap3A_494 = vector.shape_cast %swap3A_493 : vector<1x64x256xf32> to vector<64x256xf32>
      %swap3A_495 = vector.shape_cast %mul3A_489 : vector<64x256xf32> to vector<1x64x256xf32>
      tpu.vector_store %arg10[%swap3A_490, %swap3A_491, %swap3A_492], %swap3A_495 {strides = array<i32>} : memref<16x64x256xf32, #tpu.memory_space<vmem>>, vector<1x64x256xf32>,
      %get3A_496 = arith.constant 7 : index
      %get3A_497 = arith.constant 0 : index
      %get3A_498 = arith.constant 0 : index
      %get3A_499 = vector.load %arg1[%get3A_496, %get3A_497, %get3A_498] : memref<16x256x256xf32, #tpu.memory_space<vmem>>, vector<1x256x256xf32>
      %get3A_500 = vector.shape_cast %get3A_499 : vector<1x256x256xf32> to vector<256x256xf32>
      %logistic3A_501 = arith.negf %get3A_500 : vector<256x256xf32>
      %logistic3A_502 = math.exp %logistic3A_501 : vector<256x256xf32>
      %logistic3A_503 = arith.constant 1.000000e+00 : f32
      %logistic3A_504 = vector.broadcast %logistic3A_503 : f32 to vector<256x256xf32>
      %logistic3A_505 = arith.addf %logistic3A_504, %logistic3A_502 : vector<256x256xf32>
      %logistic3A_506 = arith.divf %logistic3A_504, %logistic3A_505 : vector<256x256xf32>
      %mul3A_507 = arith.mulf %get3A_500, %logistic3A_506 : vector<256x256xf32>
      %dot_general3A_508 = arith.constant dense<0.000000e+00> : vector<128x256xf32>
      %dot_general3A_509 = tpu.matmul %get3A_13, %mul3A_507, %dot_general3A_508 {dimension_numbers = #tpu.dot_dimension_numbers<[1], [0], [0], [1], [0, 0, 1, 1], [], []>, transpose_lhs_hint = false} : vector<128x256xf32>, vector<256x256xf32>, vector<128x256xf32> -> vector<128x256xf32>
      %add3A_510 = vector.broadcast %get3A_16 : vector<128x1xf32> to vector<128x256xf32>
      %add3A_511 = arith.addf %dot_general3A_509, %add3A_510 : vector<128x256xf32>
      %slice3A_512 = vector.extract_strided_slice %add3A_511 {offsets = [0, 0], sizes = [64, 256], strides = [1, 1]} : vector<128x256xf32> to vector<64x256xf32>
      %reduce_sum3A_513 = vector.shape_cast %slice3A_512 : vector<64x256xf32> to vector<1x64x256xf32>
      %reduce_sum3A_514 = arith.constant dense<0.000000e+00> : vector<1xf32>
      %reduce_sum3A_515 = vector.multi_reduction <add>, %reduce_sum3A_513, %reduce_sum3A_514 [1, 2] : vector<1x64x256xf32> to vector<1xf32>
      %reduce_sum3A_516 = vector.shape_cast %reduce_sum3A_515 : vector<1xf32> to vector<1x1x1xf32>
      %reduce_sum3A_517 = vector.extract %reduce_sum3A_516[0, 0, 0] : f32 from vector<1x1x1xf32>
      %div3A_518 = arith.constant 1.638400e+04 : f32
      %div3A_519 = arith.divf %reduce_sum3A_517, %div3A_518 : f32
      %sub3A_520 = vector.broadcast %div3A_519 : f32 to vector<64x256xf32>
      %sub3A_521 = arith.subf %slice3A_512, %sub3A_520 : vector<64x256xf32>
      %integer_pow3A_522 = arith.mulf %sub3A_521, %sub3A_521 : vector<64x256xf32>
      %reduce_sum3A_523 = vector.shape_cast %integer_pow3A_522 : vector<64x256xf32> to vector<1x64x256xf32>
      %reduce_sum3A_524 = arith.constant dense<0.000000e+00> : vector<1xf32>
      %reduce_sum3A_525 = vector.multi_reduction <add>, %reduce_sum3A_523, %reduce_sum3A_524 [1, 2] : vector<1x64x256xf32> to vector<1xf32>
      %reduce_sum3A_526 = vector.shape_cast %reduce_sum3A_525 : vector<1xf32> to vector<1x1x1xf32>
      %reduce_sum3A_527 = vector.extract %reduce_sum3A_526[0, 0, 0] : f32 from vector<1x1x1xf32>
      %div3A_528 = arith.constant 1.638400e+04 : f32
      %div3A_529 = arith.divf %reduce_sum3A_527, %div3A_528 : f32
      %sub3A_530 = vector.broadcast %div3A_519 : f32 to vector<64x256xf32>
      %sub3A_531 = arith.subf %slice3A_512, %sub3A_530 : vector<64x256xf32>
      %add3A_532 = arith.constant 9.99999974E-6 : f32
      %add3A_533 = arith.addf %div3A_529, %add3A_532 : f32
      %rsqrt3A_534 = math.rsqrt %add3A_533 : f32
      %mul3A_535 = vector.broadcast %rsqrt3A_534 : f32 to vector<64x256xf32>
      %mul3A_536 = arith.mulf %sub3A_531, %mul3A_535 : vector<64x256xf32>
      %get3A_537 = arith.constant 0 : index
      %get3A_538 = arith.constant 0 : index
      %get3A_539 = vector.load %arg4[%get3A_537, %get3A_538] : memref<64x256xf32, #tpu.memory_space<vmem>>, vector<64x256xf32>
      %mul3A_540 = arith.mulf %mul3A_536, %get3A_539 : vector<64x256xf32>
      %get3A_541 = arith.constant 0 : index
      %get3A_542 = arith.constant 0 : index
      %get3A_543 = vector.load %arg5[%get3A_541, %get3A_542] : memref<64x256xf32, #tpu.memory_space<vmem>>, vector<64x256xf32>
      %add3A_544 = arith.addf %mul3A_540, %get3A_543 : vector<64x256xf32>
      %convert_element_type3A_545 = arith.truncf %add3A_544 : vector<64x256xf32> to vector<64x256xbf16>
      %swap3A_546 = arith.constant 7 : index
      %swap3A_547 = arith.constant 0 : index
      %swap3A_548 = arith.constant 0 : index
      %swap3A_549 = vector.load %arg11[%swap3A_546, %swap3A_547, %swap3A_548] : memref<16x64x256xbf16, #tpu.memory_space<vmem>>, vector<1x64x256xbf16>
      %swap3A_550 = vector.shape_cast %swap3A_549 : vector<1x64x256xbf16> to vector<64x256xbf16>
      %swap3A_551 = vector.shape_cast %convert_element_type3A_545 : vector<64x256xbf16> to vector<1x64x256xbf16>
      tpu.vector_store %arg11[%swap3A_546, %swap3A_547, %swap3A_548], %swap3A_551 {strides = array<i32>} : memref<16x64x256xbf16, #tpu.memory_space<vmem>>, vector<1x64x256xbf16>,
      %slice3A_552 = vector.extract_strided_slice %add3A_511 {offsets = [64, 0], sizes = [64, 256], strides = [1, 1]} : vector<128x256xf32> to vector<64x256xf32>
      %logistic3A_553 = arith.negf %slice3A_552 : vector<64x256xf32>
      %logistic3A_554 = math.exp %logistic3A_553 : vector<64x256xf32>
      %logistic3A_555 = arith.constant 1.000000e+00 : f32
      %logistic3A_556 = vector.broadcast %logistic3A_555 : f32 to vector<64x256xf32>
      %logistic3A_557 = arith.addf %logistic3A_556, %logistic3A_554 : vector<64x256xf32>
      %logistic3A_558 = arith.divf %logistic3A_556, %logistic3A_557 : vector<64x256xf32>
      %mul3A_559 = arith.mulf %slice3A_552, %logistic3A_558 : vector<64x256xf32>
      %swap3A_560 = arith.constant 7 : index
      %swap3A_561 = arith.constant 0 : index
      %swap3A_562 = arith.constant 0 : index
      %swap3A_563 = vector.load %arg10[%swap3A_560, %swap3A_561, %swap3A_562] : memref<16x64x256xf32, #tpu.memory_space<vmem>>, vector<1x64x256xf32>
      %swap3A_564 = vector.shape_cast %swap3A_563 : vector<1x64x256xf32> to vector<64x256xf32>
      %swap3A_565 = vector.shape_cast %mul3A_559 : vector<64x256xf32> to vector<1x64x256xf32>
      tpu.vector_store %arg10[%swap3A_560, %swap3A_561, %swap3A_562], %swap3A_565 {strides = array<i32>} : memref<16x64x256xf32, #tpu.memory_space<vmem>>, vector<1x64x256xf32>,
      %get3A_566 = arith.constant 8 : index
      %get3A_567 = arith.constant 0 : index
      %get3A_568 = arith.constant 0 : index
      %get3A_569 = vector.load %arg1[%get3A_566, %get3A_567, %get3A_568] : memref<16x256x256xf32, #tpu.memory_space<vmem>>, vector<1x256x256xf32>
      %get3A_570 = vector.shape_cast %get3A_569 : vector<1x256x256xf32> to vector<256x256xf32>
      %logistic3A_571 = arith.negf %get3A_570 : vector<256x256xf32>
      %logistic3A_572 = math.exp %logistic3A_571 : vector<256x256xf32>
      %logistic3A_573 = arith.constant 1.000000e+00 : f32
      %logistic3A_574 = vector.broadcast %logistic3A_573 : f32 to vector<256x256xf32>
      %logistic3A_575 = arith.addf %logistic3A_574, %logistic3A_572 : vector<256x256xf32>
      %logistic3A_576 = arith.divf %logistic3A_574, %logistic3A_575 : vector<256x256xf32>
      %mul3A_577 = arith.mulf %get3A_570, %logistic3A_576 : vector<256x256xf32>
      %dot_general3A_578 = arith.constant dense<0.000000e+00> : vector<128x256xf32>
      %dot_general3A_579 = tpu.matmul %get3A_13, %mul3A_577, %dot_general3A_578 {dimension_numbers = #tpu.dot_dimension_numbers<[1], [0], [0], [1], [0, 0, 1, 1], [], []>, transpose_lhs_hint = false} : vector<128x256xf32>, vector<256x256xf32>, vector<128x256xf32> -> vector<128x256xf32>
      %add3A_580 = vector.broadcast %get3A_16 : vector<128x1xf32> to vector<128x256xf32>
      %add3A_581 = arith.addf %dot_general3A_579, %add3A_580 : vector<128x256xf32>
      %slice3A_582 = vector.extract_strided_slice %add3A_581 {offsets = [0, 0], sizes = [64, 256], strides = [1, 1]} : vector<128x256xf32> to vector<64x256xf32>
      %reduce_sum3A_583 = vector.shape_cast %slice3A_582 : vector<64x256xf32> to vector<1x64x256xf32>
      %reduce_sum3A_584 = arith.constant dense<0.000000e+00> : vector<1xf32>
      %reduce_sum3A_585 = vector.multi_reduction <add>, %reduce_sum3A_583, %reduce_sum3A_584 [1, 2] : vector<1x64x256xf32> to vector<1xf32>
      %reduce_sum3A_586 = vector.shape_cast %reduce_sum3A_585 : vector<1xf32> to vector<1x1x1xf32>
      %reduce_sum3A_587 = vector.extract %reduce_sum3A_586[0, 0, 0] : f32 from vector<1x1x1xf32>
      %div3A_588 = arith.constant 1.638400e+04 : f32
      %div3A_589 = arith.divf %reduce_sum3A_587, %div3A_588 : f32
      %sub3A_590 = vector.broadcast %div3A_589 : f32 to vector<64x256xf32>
      %sub3A_591 = arith.subf %slice3A_582, %sub3A_590 : vector<64x256xf32>
      %integer_pow3A_592 = arith.mulf %sub3A_591, %sub3A_591 : vector<64x256xf32>
      %reduce_sum3A_593 = vector.shape_cast %integer_pow3A_592 : vector<64x256xf32> to vector<1x64x256xf32>
      %reduce_sum3A_594 = arith.constant dense<0.000000e+00> : vector<1xf32>
      %reduce_sum3A_595 = vector.multi_reduction <add>, %reduce_sum3A_593, %reduce_sum3A_594 [1, 2] : vector<1x64x256xf32> to vector<1xf32>
      %reduce_sum3A_596 = vector.shape_cast %reduce_sum3A_595 : vector<1xf32> to vector<1x1x1xf32>
      %reduce_sum3A_597 = vector.extract %reduce_sum3A_596[0, 0, 0] : f32 from vector<1x1x1xf32>
      %div3A_598 = arith.constant 1.638400e+04 : f32
      %div3A_599 = arith.divf %reduce_sum3A_597, %div3A_598 : f32
      %sub3A_600 = vector.broadcast %div3A_589 : f32 to vector<64x256xf32>
      %sub3A_601 = arith.subf %slice3A_582, %sub3A_600 : vector<64x256xf32>
      %add3A_602 = arith.constant 9.99999974E-6 : f32
      %add3A_603 = arith.addf %div3A_599, %add3A_602 : f32
      %rsqrt3A_604 = math.rsqrt %add3A_603 : f32
      %mul3A_605 = vector.broadcast %rsqrt3A_604 : f32 to vector<64x256xf32>
      %mul3A_606 = arith.mulf %sub3A_601, %mul3A_605 : vector<64x256xf32>
      %get3A_607 = arith.constant 0 : index
      %get3A_608 = arith.constant 0 : index
      %get3A_609 = vector.load %arg4[%get3A_607, %get3A_608] : memref<64x256xf32, #tpu.memory_space<vmem>>, vector<64x256xf32>
      %mul3A_610 = arith.mulf %mul3A_606, %get3A_609 : vector<64x256xf32>
      %get3A_611 = arith.constant 0 : index
      %get3A_612 = arith.constant 0 : index
      %get3A_613 = vector.load %arg5[%get3A_611, %get3A_612] : memref<64x256xf32, #tpu.memory_space<vmem>>, vector<64x256xf32>
      %add3A_614 = arith.addf %mul3A_610, %get3A_613 : vector<64x256xf32>
      %convert_element_type3A_615 = arith.truncf %add3A_614 : vector<64x256xf32> to vector<64x256xbf16>
      %swap3A_616 = arith.constant 8 : index
      %swap3A_617 = arith.constant 0 : index
      %swap3A_618 = arith.constant 0 : index
      %swap3A_619 = vector.load %arg11[%swap3A_616, %swap3A_617, %swap3A_618] : memref<16x64x256xbf16, #tpu.memory_space<vmem>>, vector<1x64x256xbf16>
      %swap3A_620 = vector.shape_cast %swap3A_619 : vector<1x64x256xbf16> to vector<64x256xbf16>
      %swap3A_621 = vector.shape_cast %convert_element_type3A_615 : vector<64x256xbf16> to vector<1x64x256xbf16>
      tpu.vector_store %arg11[%swap3A_616, %swap3A_617, %swap3A_618], %swap3A_621 {strides = array<i32>} : memref<16x64x256xbf16, #tpu.memory_space<vmem>>, vector<1x64x256xbf16>,
      %slice3A_622 = vector.extract_strided_slice %add3A_581 {offsets = [64, 0], sizes = [64, 256], strides = [1, 1]} : vector<128x256xf32> to vector<64x256xf32>
      %logistic3A_623 = arith.negf %slice3A_622 : vector<64x256xf32>
      %logistic3A_624 = math.exp %logistic3A_623 : vector<64x256xf32>
      %logistic3A_625 = arith.constant 1.000000e+00 : f32
      %logistic3A_626 = vector.broadcast %logistic3A_625 : f32 to vector<64x256xf32>
      %logistic3A_627 = arith.addf %logistic3A_626, %logistic3A_624 : vector<64x256xf32>
      %logistic3A_628 = arith.divf %logistic3A_626, %logistic3A_627 : vector<64x256xf32>
      %mul3A_629 = arith.mulf %slice3A_622, %logistic3A_628 : vector<64x256xf32>
      %swap3A_630 = arith.constant 8 : index
      %swap3A_631 = arith.constant 0 : index
      %swap3A_632 = arith.constant 0 : index
      %swap3A_633 = vector.load %arg10[%swap3A_630, %swap3A_631, %swap3A_632] : memref<16x64x256xf32, #tpu.memory_space<vmem>>, vector<1x64x256xf32>
      %swap3A_634 = vector.shape_cast %swap3A_633 : vector<1x64x256xf32> to vector<64x256xf32>
      %swap3A_635 = vector.shape_cast %mul3A_629 : vector<64x256xf32> to vector<1x64x256xf32>
      tpu.vector_store %arg10[%swap3A_630, %swap3A_631, %swap3A_632], %swap3A_635 {strides = array<i32>} : memref<16x64x256xf32, #tpu.memory_space<vmem>>, vector<1x64x256xf32>,
      %get3A_636 = arith.constant 9 : index
      %get3A_637 = arith.constant 0 : index
      %get3A_638 = arith.constant 0 : index
      %get3A_639 = vector.load %arg1[%get3A_636, %get3A_637, %get3A_638] : memref<16x256x256xf32, #tpu.memory_space<vmem>>, vector<1x256x256xf32>
      %get3A_640 = vector.shape_cast %get3A_639 : vector<1x256x256xf32> to vector<256x256xf32>
      %logistic3A_641 = arith.negf %get3A_640 : vector<256x256xf32>
      %logistic3A_642 = math.exp %logistic3A_641 : vector<256x256xf32>
      %logistic3A_643 = arith.constant 1.000000e+00 : f32
      %logistic3A_644 = vector.broadcast %logistic3A_643 : f32 to vector<256x256xf32>
      %logistic3A_645 = arith.addf %logistic3A_644, %logistic3A_642 : vector<256x256xf32>
      %logistic3A_646 = arith.divf %logistic3A_644, %logistic3A_645 : vector<256x256xf32>
      %mul3A_647 = arith.mulf %get3A_640, %logistic3A_646 : vector<256x256xf32>
      %dot_general3A_648 = arith.constant dense<0.000000e+00> : vector<128x256xf32>
      %dot_general3A_649 = tpu.matmul %get3A_13, %mul3A_647, %dot_general3A_648 {dimension_numbers = #tpu.dot_dimension_numbers<[1], [0], [0], [1], [0, 0, 1, 1], [], []>, transpose_lhs_hint = false} : vector<128x256xf32>, vector<256x256xf32>, vector<128x256xf32> -> vector<128x256xf32>
      %add3A_650 = vector.broadcast %get3A_16 : vector<128x1xf32> to vector<128x256xf32>
      %add3A_651 = arith.addf %dot_general3A_649, %add3A_650 : vector<128x256xf32>
      %slice3A_652 = vector.extract_strided_slice %add3A_651 {offsets = [0, 0], sizes = [64, 256], strides = [1, 1]} : vector<128x256xf32> to vector<64x256xf32>
      %reduce_sum3A_653 = vector.shape_cast %slice3A_652 : vector<64x256xf32> to vector<1x64x256xf32>
      %reduce_sum3A_654 = arith.constant dense<0.000000e+00> : vector<1xf32>
      %reduce_sum3A_655 = vector.multi_reduction <add>, %reduce_sum3A_653, %reduce_sum3A_654 [1, 2] : vector<1x64x256xf32> to vector<1xf32>
      %reduce_sum3A_656 = vector.shape_cast %reduce_sum3A_655 : vector<1xf32> to vector<1x1x1xf32>
      %reduce_sum3A_657 = vector.extract %reduce_sum3A_656[0, 0, 0] : f32 from vector<1x1x1xf32>
      %div3A_658 = arith.constant 1.638400e+04 : f32
      %div3A_659 = arith.divf %reduce_sum3A_657, %div3A_658 : f32
      %sub3A_660 = vector.broadcast %div3A_659 : f32 to vector<64x256xf32>
      %sub3A_661 = arith.subf %slice3A_652, %sub3A_660 : vector<64x256xf32>
      %integer_pow3A_662 = arith.mulf %sub3A_661, %sub3A_661 : vector<64x256xf32>
      %reduce_sum3A_663 = vector.shape_cast %integer_pow3A_662 : vector<64x256xf32> to vector<1x64x256xf32>
      %reduce_sum3A_664 = arith.constant dense<0.000000e+00> : vector<1xf32>
      %reduce_sum3A_665 = vector.multi_reduction <add>, %reduce_sum3A_663, %reduce_sum3A_664 [1, 2] : vector<1x64x256xf32> to vector<1xf32>
      %reduce_sum3A_666 = vector.shape_cast %reduce_sum3A_665 : vector<1xf32> to vector<1x1x1xf32>
      %reduce_sum3A_667 = vector.extract %reduce_sum3A_666[0, 0, 0] : f32 from vector<1x1x1xf32>
      %div3A_668 = arith.constant 1.638400e+04 : f32
      %div3A_669 = arith.divf %reduce_sum3A_667, %div3A_668 : f32
      %sub3A_670 = vector.broadcast %div3A_659 : f32 to vector<64x256xf32>
      %sub3A_671 = arith.subf %slice3A_652, %sub3A_670 : vector<64x256xf32>
      %add3A_672 = arith.constant 9.99999974E-6 : f32
      %add3A_673 = arith.addf %div3A_669, %add3A_672 : f32
      %rsqrt3A_674 = math.rsqrt %add3A_673 : f32
      %mul3A_675 = vector.broadcast %rsqrt3A_674 : f32 to vector<64x256xf32>
      %mul3A_676 = arith.mulf %sub3A_671, %mul3A_675 : vector<64x256xf32>
      %get3A_677 = arith.constant 0 : index
      %get3A_678 = arith.constant 0 : index
      %get3A_679 = vector.load %arg4[%get3A_677, %get3A_678] : memref<64x256xf32, #tpu.memory_space<vmem>>, vector<64x256xf32>
      %mul3A_680 = arith.mulf %mul3A_676, %get3A_679 : vector<64x256xf32>
      %get3A_681 = arith.constant 0 : index
      %get3A_682 = arith.constant 0 : index
      %get3A_683 = vector.load %arg5[%get3A_681, %get3A_682] : memref<64x256xf32, #tpu.memory_space<vmem>>, vector<64x256xf32>
      %add3A_684 = arith.addf %mul3A_680, %get3A_683 : vector<64x256xf32>
      %convert_element_type3A_685 = arith.truncf %add3A_684 : vector<64x256xf32> to vector<64x256xbf16>
      %swap3A_686 = arith.constant 9 : index
      %swap3A_687 = arith.constant 0 : index
      %swap3A_688 = arith.constant 0 : index
      %swap3A_689 = vector.load %arg11[%swap3A_686, %swap3A_687, %swap3A_688] : memref<16x64x256xbf16, #tpu.memory_space<vmem>>, vector<1x64x256xbf16>
      %swap3A_690 = vector.shape_cast %swap3A_689 : vector<1x64x256xbf16> to vector<64x256xbf16>
      %swap3A_691 = vector.shape_cast %convert_element_type3A_685 : vector<64x256xbf16> to vector<1x64x256xbf16>
      tpu.vector_store %arg11[%swap3A_686, %swap3A_687, %swap3A_688], %swap3A_691 {strides = array<i32>} : memref<16x64x256xbf16, #tpu.memory_space<vmem>>, vector<1x64x256xbf16>,
      %slice3A_692 = vector.extract_strided_slice %add3A_651 {offsets = [64, 0], sizes = [64, 256], strides = [1, 1]} : vector<128x256xf32> to vector<64x256xf32>
      %logistic3A_693 = arith.negf %slice3A_692 : vector<64x256xf32>
      %logistic3A_694 = math.exp %logistic3A_693 : vector<64x256xf32>
      %logistic3A_695 = arith.constant 1.000000e+00 : f32
      %logistic3A_696 = vector.broadcast %logistic3A_695 : f32 to vector<64x256xf32>
      %logistic3A_697 = arith.addf %logistic3A_696, %logistic3A_694 : vector<64x256xf32>
      %logistic3A_698 = arith.divf %logistic3A_696, %logistic3A_697 : vector<64x256xf32>
      %mul3A_699 = arith.mulf %slice3A_692, %logistic3A_698 : vector<64x256xf32>
      %swap3A_700 = arith.constant 9 : index
      %swap3A_701 = arith.constant 0 : index
      %swap3A_702 = arith.constant 0 : index
      %swap3A_703 = vector.load %arg10[%swap3A_700, %swap3A_701, %swap3A_702] : memref<16x64x256xf32, #tpu.memory_space<vmem>>, vector<1x64x256xf32>
      %swap3A_704 = vector.shape_cast %swap3A_703 : vector<1x64x256xf32> to vector<64x256xf32>
      %swap3A_705 = vector.shape_cast %mul3A_699 : vector<64x256xf32> to vector<1x64x256xf32>
      tpu.vector_store %arg10[%swap3A_700, %swap3A_701, %swap3A_702], %swap3A_705 {strides = array<i32>} : memref<16x64x256xf32, #tpu.memory_space<vmem>>, vector<1x64x256xf32>,
      %get3A_706 = arith.constant 10 : index
      %get3A_707 = arith.constant 0 : index
      %get3A_708 = arith.constant 0 : index
      %get3A_709 = vector.load %arg1[%get3A_706, %get3A_707, %get3A_708] : memref<16x256x256xf32, #tpu.memory_space<vmem>>, vector<1x256x256xf32>
      %get3A_710 = vector.shape_cast %get3A_709 : vector<1x256x256xf32> to vector<256x256xf32>
      %logistic3A_711 = arith.negf %get3A_710 : vector<256x256xf32>
      %logistic3A_712 = math.exp %logistic3A_711 : vector<256x256xf32>
      %logistic3A_713 = arith.constant 1.000000e+00 : f32
      %logistic3A_714 = vector.broadcast %logistic3A_713 : f32 to vector<256x256xf32>
      %logistic3A_715 = arith.addf %logistic3A_714, %logistic3A_712 : vector<256x256xf32>
      %logistic3A_716 = arith.divf %logistic3A_714, %logistic3A_715 : vector<256x256xf32>
      %mul3A_717 = arith.mulf %get3A_710, %logistic3A_716 : vector<256x256xf32>
      %dot_general3A_718 = arith.constant dense<0.000000e+00> : vector<128x256xf32>
      %dot_general3A_719 = tpu.matmul %get3A_13, %mul3A_717, %dot_general3A_718 {dimension_numbers = #tpu.dot_dimension_numbers<[1], [0], [0], [1], [0, 0, 1, 1], [], []>, transpose_lhs_hint = false} : vector<128x256xf32>, vector<256x256xf32>, vector<128x256xf32> -> vector<128x256xf32>
      %add3A_720 = vector.broadcast %get3A_16 : vector<128x1xf32> to vector<128x256xf32>
      %add3A_721 = arith.addf %dot_general3A_719, %add3A_720 : vector<128x256xf32>
      %slice3A_722 = vector.extract_strided_slice %add3A_721 {offsets = [0, 0], sizes = [64, 256], strides = [1, 1]} : vector<128x256xf32> to vector<64x256xf32>
      %reduce_sum3A_723 = vector.shape_cast %slice3A_722 : vector<64x256xf32> to vector<1x64x256xf32>
      %reduce_sum3A_724 = arith.constant dense<0.000000e+00> : vector<1xf32>
      %reduce_sum3A_725 = vector.multi_reduction <add>, %reduce_sum3A_723, %reduce_sum3A_724 [1, 2] : vector<1x64x256xf32> to vector<1xf32>
      %reduce_sum3A_726 = vector.shape_cast %reduce_sum3A_725 : vector<1xf32> to vector<1x1x1xf32>
      %reduce_sum3A_727 = vector.extract %reduce_sum3A_726[0, 0, 0] : f32 from vector<1x1x1xf32>
      %div3A_728 = arith.constant 1.638400e+04 : f32
      %div3A_729 = arith.divf %reduce_sum3A_727, %div3A_728 : f32
      %sub3A_730 = vector.broadcast %div3A_729 : f32 to vector<64x256xf32>
      %sub3A_731 = arith.subf %slice3A_722, %sub3A_730 : vector<64x256xf32>
      %integer_pow3A_732 = arith.mulf %sub3A_731, %sub3A_731 : vector<64x256xf32>
      %reduce_sum3A_733 = vector.shape_cast %integer_pow3A_732 : vector<64x256xf32> to vector<1x64x256xf32>
      %reduce_sum3A_734 = arith.constant dense<0.000000e+00> : vector<1xf32>
      %reduce_sum3A_735 = vector.multi_reduction <add>, %reduce_sum3A_733, %reduce_sum3A_734 [1, 2] : vector<1x64x256xf32> to vector<1xf32>
      %reduce_sum3A_736 = vector.shape_cast %reduce_sum3A_735 : vector<1xf32> to vector<1x1x1xf32>
      %reduce_sum3A_737 = vector.extract %reduce_sum3A_736[0, 0, 0] : f32 from vector<1x1x1xf32>
      %div3A_738 = arith.constant 1.638400e+04 : f32
      %div3A_739 = arith.divf %reduce_sum3A_737, %div3A_738 : f32
      %sub3A_740 = vector.broadcast %div3A_729 : f32 to vector<64x256xf32>
      %sub3A_741 = arith.subf %slice3A_722, %sub3A_740 : vector<64x256xf32>
      %add3A_742 = arith.constant 9.99999974E-6 : f32
      %add3A_743 = arith.addf %div3A_739, %add3A_742 : f32
      %rsqrt3A_744 = math.rsqrt %add3A_743 : f32
      %mul3A_745 = vector.broadcast %rsqrt3A_744 : f32 to vector<64x256xf32>
      %mul3A_746 = arith.mulf %sub3A_741, %mul3A_745 : vector<64x256xf32>
      %get3A_747 = arith.constant 0 : index
      %get3A_748 = arith.constant 0 : index
      %get3A_749 = vector.load %arg4[%get3A_747, %get3A_748] : memref<64x256xf32, #tpu.memory_space<vmem>>, vector<64x256xf32>
      %mul3A_750 = arith.mulf %mul3A_746, %get3A_749 : vector<64x256xf32>
      %get3A_751 = arith.constant 0 : index
      %get3A_752 = arith.constant 0 : index
      %get3A_753 = vector.load %arg5[%get3A_751, %get3A_752] : memref<64x256xf32, #tpu.memory_space<vmem>>, vector<64x256xf32>
      %add3A_754 = arith.addf %mul3A_750, %get3A_753 : vector<64x256xf32>
      %convert_element_type3A_755 = arith.truncf %add3A_754 : vector<64x256xf32> to vector<64x256xbf16>
      %swap3A_756 = arith.constant 10 : index
      %swap3A_757 = arith.constant 0 : index
      %swap3A_758 = arith.constant 0 : index
      %swap3A_759 = vector.load %arg11[%swap3A_756, %swap3A_757, %swap3A_758] : memref<16x64x256xbf16, #tpu.memory_space<vmem>>, vector<1x64x256xbf16>
      %swap3A_760 = vector.shape_cast %swap3A_759 : vector<1x64x256xbf16> to vector<64x256xbf16>
      %swap3A_761 = vector.shape_cast %convert_element_type3A_755 : vector<64x256xbf16> to vector<1x64x256xbf16>
      tpu.vector_store %arg11[%swap3A_756, %swap3A_757, %swap3A_758], %swap3A_761 {strides = array<i32>} : memref<16x64x256xbf16, #tpu.memory_space<vmem>>, vector<1x64x256xbf16>,
      %slice3A_762 = vector.extract_strided_slice %add3A_721 {offsets = [64, 0], sizes = [64, 256], strides = [1, 1]} : vector<128x256xf32> to vector<64x256xf32>
      %logistic3A_763 = arith.negf %slice3A_762 : vector<64x256xf32>
      %logistic3A_764 = math.exp %logistic3A_763 : vector<64x256xf32>
      %logistic3A_765 = arith.constant 1.000000e+00 : f32
      %logistic3A_766 = vector.broadcast %logistic3A_765 : f32 to vector<64x256xf32>
      %logistic3A_767 = arith.addf %logistic3A_766, %logistic3A_764 : vector<64x256xf32>
      %logistic3A_768 = arith.divf %logistic3A_766, %logistic3A_767 : vector<64x256xf32>
      %mul3A_769 = arith.mulf %slice3A_762, %logistic3A_768 : vector<64x256xf32>
      %swap3A_770 = arith.constant 10 : index
      %swap3A_771 = arith.constant 0 : index
      %swap3A_772 = arith.constant 0 : index
      %swap3A_773 = vector.load %arg10[%swap3A_770, %swap3A_771, %swap3A_772] : memref<16x64x256xf32, #tpu.memory_space<vmem>>, vector<1x64x256xf32>
      %swap3A_774 = vector.shape_cast %swap3A_773 : vector<1x64x256xf32> to vector<64x256xf32>
      %swap3A_775 = vector.shape_cast %mul3A_769 : vector<64x256xf32> to vector<1x64x256xf32>
      tpu.vector_store %arg10[%swap3A_770, %swap3A_771, %swap3A_772], %swap3A_775 {strides = array<i32>} : memref<16x64x256xf32, #tpu.memory_space<vmem>>, vector<1x64x256xf32>,
      %get3A_776 = arith.constant 11 : index
      %get3A_777 = arith.constant 0 : index
      %get3A_778 = arith.constant 0 : index
      %get3A_779 = vector.load %arg1[%get3A_776, %get3A_777, %get3A_778] : memref<16x256x256xf32, #tpu.memory_space<vmem>>, vector<1x256x256xf32>
      %get3A_780 = vector.shape_cast %get3A_779 : vector<1x256x256xf32> to vector<256x256xf32>
      %logistic3A_781 = arith.negf %get3A_780 : vector<256x256xf32>
      %logistic3A_782 = math.exp %logistic3A_781 : vector<256x256xf32>
      %logistic3A_783 = arith.constant 1.000000e+00 : f32
      %logistic3A_784 = vector.broadcast %logistic3A_783 : f32 to vector<256x256xf32>
      %logistic3A_785 = arith.addf %logistic3A_784, %logistic3A_782 : vector<256x256xf32>
      %logistic3A_786 = arith.divf %logistic3A_784, %logistic3A_785 : vector<256x256xf32>
      %mul3A_787 = arith.mulf %get3A_780, %logistic3A_786 : vector<256x256xf32>
      %dot_general3A_788 = arith.constant dense<0.000000e+00> : vector<128x256xf32>
      %dot_general3A_789 = tpu.matmul %get3A_13, %mul3A_787, %dot_general3A_788 {dimension_numbers = #tpu.dot_dimension_numbers<[1], [0], [0], [1], [0, 0, 1, 1], [], []>, transpose_lhs_hint = false} : vector<128x256xf32>, vector<256x256xf32>, vector<128x256xf32> -> vector<128x256xf32>
      %add3A_790 = vector.broadcast %get3A_16 : vector<128x1xf32> to vector<128x256xf32>
      %add3A_791 = arith.addf %dot_general3A_789, %add3A_790 : vector<128x256xf32>
      %slice3A_792 = vector.extract_strided_slice %add3A_791 {offsets = [0, 0], sizes = [64, 256], strides = [1, 1]} : vector<128x256xf32> to vector<64x256xf32>
      %reduce_sum3A_793 = vector.shape_cast %slice3A_792 : vector<64x256xf32> to vector<1x64x256xf32>
      %reduce_sum3A_794 = arith.constant dense<0.000000e+00> : vector<1xf32>
      %reduce_sum3A_795 = vector.multi_reduction <add>, %reduce_sum3A_793, %reduce_sum3A_794 [1, 2] : vector<1x64x256xf32> to vector<1xf32>
      %reduce_sum3A_796 = vector.shape_cast %reduce_sum3A_795 : vector<1xf32> to vector<1x1x1xf32>
      %reduce_sum3A_797 = vector.extract %reduce_sum3A_796[0, 0, 0] : f32 from vector<1x1x1xf32>
      %div3A_798 = arith.constant 1.638400e+04 : f32
      %div3A_799 = arith.divf %reduce_sum3A_797, %div3A_798 : f32
      %sub3A_800 = vector.broadcast %div3A_799 : f32 to vector<64x256xf32>
      %sub3A_801 = arith.subf %slice3A_792, %sub3A_800 : vector<64x256xf32>
      %integer_pow3A_802 = arith.mulf %sub3A_801, %sub3A_801 : vector<64x256xf32>
      %reduce_sum3A_803 = vector.shape_cast %integer_pow3A_802 : vector<64x256xf32> to vector<1x64x256xf32>
      %reduce_sum3A_804 = arith.constant dense<0.000000e+00> : vector<1xf32>
      %reduce_sum3A_805 = vector.multi_reduction <add>, %reduce_sum3A_803, %reduce_sum3A_804 [1, 2] : vector<1x64x256xf32> to vector<1xf32>
      %reduce_sum3A_806 = vector.shape_cast %reduce_sum3A_805 : vector<1xf32> to vector<1x1x1xf32>
      %reduce_sum3A_807 = vector.extract %reduce_sum3A_806[0, 0, 0] : f32 from vector<1x1x1xf32>
      %div3A_808 = arith.constant 1.638400e+04 : f32
      %div3A_809 = arith.divf %reduce_sum3A_807, %div3A_808 : f32
      %sub3A_810 = vector.broadcast %div3A_799 : f32 to vector<64x256xf32>
      %sub3A_811 = arith.subf %slice3A_792, %sub3A_810 : vector<64x256xf32>
      %add3A_812 = arith.constant 9.99999974E-6 : f32
      %add3A_813 = arith.addf %div3A_809, %add3A_812 : f32
      %rsqrt3A_814 = math.rsqrt %add3A_813 : f32
      %mul3A_815 = vector.broadcast %rsqrt3A_814 : f32 to vector<64x256xf32>
      %mul3A_816 = arith.mulf %sub3A_811, %mul3A_815 : vector<64x256xf32>
      %get3A_817 = arith.constant 0 : index
      %get3A_818 = arith.constant 0 : index
      %get3A_819 = vector.load %arg4[%get3A_817, %get3A_818] : memref<64x256xf32, #tpu.memory_space<vmem>>, vector<64x256xf32>
      %mul3A_820 = arith.mulf %mul3A_816, %get3A_819 : vector<64x256xf32>
      %get3A_821 = arith.constant 0 : index
      %get3A_822 = arith.constant 0 : index
      %get3A_823 = vector.load %arg5[%get3A_821, %get3A_822] : memref<64x256xf32, #tpu.memory_space<vmem>>, vector<64x256xf32>
      %add3A_824 = arith.addf %mul3A_820, %get3A_823 : vector<64x256xf32>
      %convert_element_type3A_825 = arith.truncf %add3A_824 : vector<64x256xf32> to vector<64x256xbf16>
      %swap3A_826 = arith.constant 11 : index
      %swap3A_827 = arith.constant 0 : index
      %swap3A_828 = arith.constant 0 : index
      %swap3A_829 = vector.load %arg11[%swap3A_826, %swap3A_827, %swap3A_828] : memref<16x64x256xbf16, #tpu.memory_space<vmem>>, vector<1x64x256xbf16>
      %swap3A_830 = vector.shape_cast %swap3A_829 : vector<1x64x256xbf16> to vector<64x256xbf16>
      %swap3A_831 = vector.shape_cast %convert_element_type3A_825 : vector<64x256xbf16> to vector<1x64x256xbf16>
      tpu.vector_store %arg11[%swap3A_826, %swap3A_827, %swap3A_828], %swap3A_831 {strides = array<i32>} : memref<16x64x256xbf16, #tpu.memory_space<vmem>>, vector<1x64x256xbf16>,
      %slice3A_832 = vector.extract_strided_slice %add3A_791 {offsets = [64, 0], sizes = [64, 256], strides = [1, 1]} : vector<128x256xf32> to vector<64x256xf32>
      %logistic3A_833 = arith.negf %slice3A_832 : vector<64x256xf32>
      %logistic3A_834 = math.exp %logistic3A_833 : vector<64x256xf32>
      %logistic3A_835 = arith.constant 1.000000e+00 : f32
      %logistic3A_836 = vector.broadcast %logistic3A_835 : f32 to vector<64x256xf32>
      %logistic3A_837 = arith.addf %logistic3A_836, %logistic3A_834 : vector<64x256xf32>
      %logistic3A_838 = arith.divf %logistic3A_836, %logistic3A_837 : vector<64x256xf32>
      %mul3A_839 = arith.mulf %slice3A_832, %logistic3A_838 : vector<64x256xf32>
      %swap3A_840 = arith.constant 11 : index
      %swap3A_841 = arith.constant 0 : index
      %swap3A_842 = arith.constant 0 : index
      %swap3A_843 = vector.load %arg10[%swap3A_840, %swap3A_841, %swap3A_842] : memref<16x64x256xf32, #tpu.memory_space<vmem>>, vector<1x64x256xf32>
      %swap3A_844 = vector.shape_cast %swap3A_843 : vector<1x64x256xf32> to vector<64x256xf32>
      %swap3A_845 = vector.shape_cast %mul3A_839 : vector<64x256xf32> to vector<1x64x256xf32>
      tpu.vector_store %arg10[%swap3A_840, %swap3A_841, %swap3A_842], %swap3A_845 {strides = array<i32>} : memref<16x64x256xf32, #tpu.memory_space<vmem>>, vector<1x64x256xf32>,
      %get3A_846 = arith.constant 12 : index
      %get3A_847 = arith.constant 0 : index
      %get3A_848 = arith.constant 0 : index
      %get3A_849 = vector.load %arg1[%get3A_846, %get3A_847, %get3A_848] : memref<16x256x256xf32, #tpu.memory_space<vmem>>, vector<1x256x256xf32>
      %get3A_850 = vector.shape_cast %get3A_849 : vector<1x256x256xf32> to vector<256x256xf32>
      %logistic3A_851 = arith.negf %get3A_850 : vector<256x256xf32>
      %logistic3A_852 = math.exp %logistic3A_851 : vector<256x256xf32>
      %logistic3A_853 = arith.constant 1.000000e+00 : f32
      %logistic3A_854 = vector.broadcast %logistic3A_853 : f32 to vector<256x256xf32>
      %logistic3A_855 = arith.addf %logistic3A_854, %logistic3A_852 : vector<256x256xf32>
      %logistic3A_856 = arith.divf %logistic3A_854, %logistic3A_855 : vector<256x256xf32>
      %mul3A_857 = arith.mulf %get3A_850, %logistic3A_856 : vector<256x256xf32>
      %dot_general3A_858 = arith.constant dense<0.000000e+00> : vector<128x256xf32>
      %dot_general3A_859 = tpu.matmul %get3A_13, %mul3A_857, %dot_general3A_858 {dimension_numbers = #tpu.dot_dimension_numbers<[1], [0], [0], [1], [0, 0, 1, 1], [], []>, transpose_lhs_hint = false} : vector<128x256xf32>, vector<256x256xf32>, vector<128x256xf32> -> vector<128x256xf32>
      %add3A_860 = vector.broadcast %get3A_16 : vector<128x1xf32> to vector<128x256xf32>
      %add3A_861 = arith.addf %dot_general3A_859, %add3A_860 : vector<128x256xf32>
      %slice3A_862 = vector.extract_strided_slice %add3A_861 {offsets = [0, 0], sizes = [64, 256], strides = [1, 1]} : vector<128x256xf32> to vector<64x256xf32>
      %reduce_sum3A_863 = vector.shape_cast %slice3A_862 : vector<64x256xf32> to vector<1x64x256xf32>
      %reduce_sum3A_864 = arith.constant dense<0.000000e+00> : vector<1xf32>
      %reduce_sum3A_865 = vector.multi_reduction <add>, %reduce_sum3A_863, %reduce_sum3A_864 [1, 2] : vector<1x64x256xf32> to vector<1xf32>
      %reduce_sum3A_866 = vector.shape_cast %reduce_sum3A_865 : vector<1xf32> to vector<1x1x1xf32>
      %reduce_sum3A_867 = vector.extract %reduce_sum3A_866[0, 0, 0] : f32 from vector<1x1x1xf32>
      %div3A_868 = arith.constant 1.638400e+04 : f32
      %div3A_869 = arith.divf %reduce_sum3A_867, %div3A_868 : f32
      %sub3A_870 = vector.broadcast %div3A_869 : f32 to vector<64x256xf32>
      %sub3A_871 = arith.subf %slice3A_862, %sub3A_870 : vector<64x256xf32>
      %integer_pow3A_872 = arith.mulf %sub3A_871, %sub3A_871 : vector<64x256xf32>
      %reduce_sum3A_873 = vector.shape_cast %integer_pow3A_872 : vector<64x256xf32> to vector<1x64x256xf32>
      %reduce_sum3A_874 = arith.constant dense<0.000000e+00> : vector<1xf32>
      %reduce_sum3A_875 = vector.multi_reduction <add>, %reduce_sum3A_873, %reduce_sum3A_874 [1, 2] : vector<1x64x256xf32> to vector<1xf32>
      %reduce_sum3A_876 = vector.shape_cast %reduce_sum3A_875 : vector<1xf32> to vector<1x1x1xf32>
      %reduce_sum3A_877 = vector.extract %reduce_sum3A_876[0, 0, 0] : f32 from vector<1x1x1xf32>
      %div3A_878 = arith.constant 1.638400e+04 : f32
      %div3A_879 = arith.divf %reduce_sum3A_877, %div3A_878 : f32
      %sub3A_880 = vector.broadcast %div3A_869 : f32 to vector<64x256xf32>
      %sub3A_881 = arith.subf %slice3A_862, %sub3A_880 : vector<64x256xf32>
      %add3A_882 = arith.constant 9.99999974E-6 : f32
      %add3A_883 = arith.addf %div3A_879, %add3A_882 : f32
      %rsqrt3A_884 = math.rsqrt %add3A_883 : f32
      %mul3A_885 = vector.broadcast %rsqrt3A_884 : f32 to vector<64x256xf32>
      %mul3A_886 = arith.mulf %sub3A_881, %mul3A_885 : vector<64x256xf32>
      %get3A_887 = arith.constant 0 : index
      %get3A_888 = arith.constant 0 : index
      %get3A_889 = vector.load %arg4[%get3A_887, %get3A_888] : memref<64x256xf32, #tpu.memory_space<vmem>>, vector<64x256xf32>
      %mul3A_890 = arith.mulf %mul3A_886, %get3A_889 : vector<64x256xf32>
      %get3A_891 = arith.constant 0 : index
      %get3A_892 = arith.constant 0 : index
      %get3A_893 = vector.load %arg5[%get3A_891, %get3A_892] : memref<64x256xf32, #tpu.memory_space<vmem>>, vector<64x256xf32>
      %add3A_894 = arith.addf %mul3A_890, %get3A_893 : vector<64x256xf32>
      %convert_element_type3A_895 = arith.truncf %add3A_894 : vector<64x256xf32> to vector<64x256xbf16>
      %swap3A_896 = arith.constant 12 : index
      %swap3A_897 = arith.constant 0 : index
      %swap3A_898 = arith.constant 0 : index
      %swap3A_899 = vector.load %arg11[%swap3A_896, %swap3A_897, %swap3A_898] : memref<16x64x256xbf16, #tpu.memory_space<vmem>>, vector<1x64x256xbf16>
      %swap3A_900 = vector.shape_cast %swap3A_899 : vector<1x64x256xbf16> to vector<64x256xbf16>
      %swap3A_901 = vector.shape_cast %convert_element_type3A_895 : vector<64x256xbf16> to vector<1x64x256xbf16>
      tpu.vector_store %arg11[%swap3A_896, %swap3A_897, %swap3A_898], %swap3A_901 {strides = array<i32>} : memref<16x64x256xbf16, #tpu.memory_space<vmem>>, vector<1x64x256xbf16>,
      %slice3A_902 = vector.extract_strided_slice %add3A_861 {offsets = [64, 0], sizes = [64, 256], strides = [1, 1]} : vector<128x256xf32> to vector<64x256xf32>
      %logistic3A_903 = arith.negf %slice3A_902 : vector<64x256xf32>
      %logistic3A_904 = math.exp %logistic3A_903 : vector<64x256xf32>
      %logistic3A_905 = arith.constant 1.000000e+00 : f32
      %logistic3A_906 = vector.broadcast %logistic3A_905 : f32 to vector<64x256xf32>
      %logistic3A_907 = arith.addf %logistic3A_906, %logistic3A_904 : vector<64x256xf32>
      %logistic3A_908 = arith.divf %logistic3A_906, %logistic3A_907 : vector<64x256xf32>
      %mul3A_909 = arith.mulf %slice3A_902, %logistic3A_908 : vector<64x256xf32>
      %swap3A_910 = arith.constant 12 : index
      %swap3A_911 = arith.constant 0 : index
      %swap3A_912 = arith.constant 0 : index
      %swap3A_913 = vector.load %arg10[%swap3A_910, %swap3A_911, %swap3A_912] : memref<16x64x256xf32, #tpu.memory_space<vmem>>, vector<1x64x256xf32>
      %swap3A_914 = vector.shape_cast %swap3A_913 : vector<1x64x256xf32> to vector<64x256xf32>
      %swap3A_915 = vector.shape_cast %mul3A_909 : vector<64x256xf32> to vector<1x64x256xf32>
      tpu.vector_store %arg10[%swap3A_910, %swap3A_911, %swap3A_912], %swap3A_915 {strides = array<i32>} : memref<16x64x256xf32, #tpu.memory_space<vmem>>, vector<1x64x256xf32>,
      %get3A_916 = arith.constant 13 : index
      %get3A_917 = arith.constant 0 : index
      %get3A_918 = arith.constant 0 : index
      %get3A_919 = vector.load %arg1[%get3A_916, %get3A_917, %get3A_918] : memref<16x256x256xf32, #tpu.memory_space<vmem>>, vector<1x256x256xf32>
      %get3A_920 = vector.shape_cast %get3A_919 : vector<1x256x256xf32> to vector<256x256xf32>
      %logistic3A_921 = arith.negf %get3A_920 : vector<256x256xf32>
      %logistic3A_922 = math.exp %logistic3A_921 : vector<256x256xf32>
      %logistic3A_923 = arith.constant 1.000000e+00 : f32
      %logistic3A_924 = vector.broadcast %logistic3A_923 : f32 to vector<256x256xf32>
      %logistic3A_925 = arith.addf %logistic3A_924, %logistic3A_922 : vector<256x256xf32>
      %logistic3A_926 = arith.divf %logistic3A_924, %logistic3A_925 : vector<256x256xf32>
      %mul3A_927 = arith.mulf %get3A_920, %logistic3A_926 : vector<256x256xf32>
      %dot_general3A_928 = arith.constant dense<0.000000e+00> : vector<128x256xf32>
      %dot_general3A_929 = tpu.matmul %get3A_13, %mul3A_927, %dot_general3A_928 {dimension_numbers = #tpu.dot_dimension_numbers<[1], [0], [0], [1], [0, 0, 1, 1], [], []>, transpose_lhs_hint = false} : vector<128x256xf32>, vector<256x256xf32>, vector<128x256xf32> -> vector<128x256xf32>
      %add3A_930 = vector.broadcast %get3A_16 : vector<128x1xf32> to vector<128x256xf32>
      %add3A_931 = arith.addf %dot_general3A_929, %add3A_930 : vector<128x256xf32>
      %slice3A_932 = vector.extract_strided_slice %add3A_931 {offsets = [0, 0], sizes = [64, 256], strides = [1, 1]} : vector<128x256xf32> to vector<64x256xf32>
      %reduce_sum3A_933 = vector.shape_cast %slice3A_932 : vector<64x256xf32> to vector<1x64x256xf32>
      %reduce_sum3A_934 = arith.constant dense<0.000000e+00> : vector<1xf32>
      %reduce_sum3A_935 = vector.multi_reduction <add>, %reduce_sum3A_933, %reduce_sum3A_934 [1, 2] : vector<1x64x256xf32> to vector<1xf32>
      %reduce_sum3A_936 = vector.shape_cast %reduce_sum3A_935 : vector<1xf32> to vector<1x1x1xf32>
      %reduce_sum3A_937 = vector.extract %reduce_sum3A_936[0, 0, 0] : f32 from vector<1x1x1xf32>
      %div3A_938 = arith.constant 1.638400e+04 : f32
      %div3A_939 = arith.divf %reduce_sum3A_937, %div3A_938 : f32
      %sub3A_940 = vector.broadcast %div3A_939 : f32 to vector<64x256xf32>
      %sub3A_941 = arith.subf %slice3A_932, %sub3A_940 : vector<64x256xf32>
      %integer_pow3A_942 = arith.mulf %sub3A_941, %sub3A_941 : vector<64x256xf32>
      %reduce_sum3A_943 = vector.shape_cast %integer_pow3A_942 : vector<64x256xf32> to vector<1x64x256xf32>
      %reduce_sum3A_944 = arith.constant dense<0.000000e+00> : vector<1xf32>
      %reduce_sum3A_945 = vector.multi_reduction <add>, %reduce_sum3A_943, %reduce_sum3A_944 [1, 2] : vector<1x64x256xf32> to vector<1xf32>
      %reduce_sum3A_946 = vector.shape_cast %reduce_sum3A_945 : vector<1xf32> to vector<1x1x1xf32>
      %reduce_sum3A_947 = vector.extract %reduce_sum3A_946[0, 0, 0] : f32 from vector<1x1x1xf32>
      %div3A_948 = arith.constant 1.638400e+04 : f32
      %div3A_949 = arith.divf %reduce_sum3A_947, %div3A_948 : f32
      %sub3A_950 = vector.broadcast %div3A_939 : f32 to vector<64x256xf32>
      %sub3A_951 = arith.subf %slice3A_932, %sub3A_950 : vector<64x256xf32>
      %add3A_952 = arith.constant 9.99999974E-6 : f32
      %add3A_953 = arith.addf %div3A_949, %add3A_952 : f32
      %rsqrt3A_954 = math.rsqrt %add3A_953 : f32
      %mul3A_955 = vector.broadcast %rsqrt3A_954 : f32 to vector<64x256xf32>
      %mul3A_956 = arith.mulf %sub3A_951, %mul3A_955 : vector<64x256xf32>
      %get3A_957 = arith.constant 0 : index
      %get3A_958 = arith.constant 0 : index
      %get3A_959 = vector.load %arg4[%get3A_957, %get3A_958] : memref<64x256xf32, #tpu.memory_space<vmem>>, vector<64x256xf32>
      %mul3A_960 = arith.mulf %mul3A_956, %get3A_959 : vector<64x256xf32>
      %get3A_961 = arith.constant 0 : index
      %get3A_962 = arith.constant 0 : index
      %get3A_963 = vector.load %arg5[%get3A_961, %get3A_962] : memref<64x256xf32, #tpu.memory_space<vmem>>, vector<64x256xf32>
      %add3A_964 = arith.addf %mul3A_960, %get3A_963 : vector<64x256xf32>
      %convert_element_type3A_965 = arith.truncf %add3A_964 : vector<64x256xf32> to vector<64x256xbf16>
      %swap3A_966 = arith.constant 13 : index
      %swap3A_967 = arith.constant 0 : index
      %swap3A_968 = arith.constant 0 : index
      %swap3A_969 = vector.load %arg11[%swap3A_966, %swap3A_967, %swap3A_968] : memref<16x64x256xbf16, #tpu.memory_space<vmem>>, vector<1x64x256xbf16>
      %swap3A_970 = vector.shape_cast %swap3A_969 : vector<1x64x256xbf16> to vector<64x256xbf16>
      %swap3A_971 = vector.shape_cast %convert_element_type3A_965 : vector<64x256xbf16> to vector<1x64x256xbf16>
      tpu.vector_store %arg11[%swap3A_966, %swap3A_967, %swap3A_968], %swap3A_971 {strides = array<i32>} : memref<16x64x256xbf16, #tpu.memory_space<vmem>>, vector<1x64x256xbf16>,
      %slice3A_972 = vector.extract_strided_slice %add3A_931 {offsets = [64, 0], sizes = [64, 256], strides = [1, 1]} : vector<128x256xf32> to vector<64x256xf32>
      %logistic3A_973 = arith.negf %slice3A_972 : vector<64x256xf32>
      %logistic3A_974 = math.exp %logistic3A_973 : vector<64x256xf32>
      %logistic3A_975 = arith.constant 1.000000e+00 : f32
      %logistic3A_976 = vector.broadcast %logistic3A_975 : f32 to vector<64x256xf32>
      %logistic3A_977 = arith.addf %logistic3A_976, %logistic3A_974 : vector<64x256xf32>
      %logistic3A_978 = arith.divf %logistic3A_976, %logistic3A_977 : vector<64x256xf32>
      %mul3A_979 = arith.mulf %slice3A_972, %logistic3A_978 : vector<64x256xf32>
      %swap3A_980 = arith.constant 13 : index
      %swap3A_981 = arith.constant 0 : index
      %swap3A_982 = arith.constant 0 : index
      %swap3A_983 = vector.load %arg10[%swap3A_980, %swap3A_981, %swap3A_982] : memref<16x64x256xf32, #tpu.memory_space<vmem>>, vector<1x64x256xf32>
      %swap3A_984 = vector.shape_cast %swap3A_983 : vector<1x64x256xf32> to vector<64x256xf32>
      %swap3A_985 = vector.shape_cast %mul3A_979 : vector<64x256xf32> to vector<1x64x256xf32>
      tpu.vector_store %arg10[%swap3A_980, %swap3A_981, %swap3A_982], %swap3A_985 {strides = array<i32>} : memref<16x64x256xf32, #tpu.memory_space<vmem>>, vector<1x64x256xf32>,
      %get3A_986 = arith.constant 14 : index
      %get3A_987 = arith.constant 0 : index
      %get3A_988 = arith.constant 0 : index
      %get3A_989 = vector.load %arg1[%get3A_986, %get3A_987, %get3A_988] : memref<16x256x256xf32, #tpu.memory_space<vmem>>, vector<1x256x256xf32>
      %get3A_990 = vector.shape_cast %get3A_989 : vector<1x256x256xf32> to vector<256x256xf32>
      %logistic3A_991 = arith.negf %get3A_990 : vector<256x256xf32>
      %logistic3A_992 = math.exp %logistic3A_991 : vector<256x256xf32>
      %logistic3A_993 = arith.constant 1.000000e+00 : f32
      %logistic3A_994 = vector.broadcast %logistic3A_993 : f32 to vector<256x256xf32>
      %logistic3A_995 = arith.addf %logistic3A_994, %logistic3A_992 : vector<256x256xf32>
      %logistic3A_996 = arith.divf %logistic3A_994, %logistic3A_995 : vector<256x256xf32>
      %mul3A_997 = arith.mulf %get3A_990, %logistic3A_996 : vector<256x256xf32>
      %dot_general3A_998 = arith.constant dense<0.000000e+00> : vector<128x256xf32>
      %dot_general3A_999 = tpu.matmul %get3A_13, %mul3A_997, %dot_general3A_998 {dimension_numbers = #tpu.dot_dimension_numbers<[1], [0], [0], [1], [0, 0, 1, 1], [], []>, transpose_lhs_hint = false} : vector<128x256xf32>, vector<256x256xf32>, vector<128x256xf32> -> vector<128x256xf32>
      %add3A_1000 = vector.broadcast %get3A_16 : vector<128x1xf32> to vector<128x256xf32>
      %add3A_1001 = arith.addf %dot_general3A_999, %add3A_1000 : vector<128x256xf32>
      %slice3A_1002 = vector.extract_strided_slice %add3A_1001 {offsets = [0, 0], sizes = [64, 256], strides = [1, 1]} : vector<128x256xf32> to vector<64x256xf32>
      %reduce_sum3A_1003 = vector.shape_cast %slice3A_1002 : vector<64x256xf32> to vector<1x64x256xf32>
      %reduce_sum3A_1004 = arith.constant dense<0.000000e+00> : vector<1xf32>
      %reduce_sum3A_1005 = vector.multi_reduction <add>, %reduce_sum3A_1003, %reduce_sum3A_1004 [1, 2] : vector<1x64x256xf32> to vector<1xf32>
      %reduce_sum3A_1006 = vector.shape_cast %reduce_sum3A_1005 : vector<1xf32> to vector<1x1x1xf32>
      %reduce_sum3A_1007 = vector.extract %reduce_sum3A_1006[0, 0, 0] : f32 from vector<1x1x1xf32>
      %div3A_1008 = arith.constant 1.638400e+04 : f32
      %div3A_1009 = arith.divf %reduce_sum3A_1007, %div3A_1008 : f32
      %sub3A_1010 = vector.broadcast %div3A_1009 : f32 to vector<64x256xf32>
      %sub3A_1011 = arith.subf %slice3A_1002, %sub3A_1010 : vector<64x256xf32>
      %integer_pow3A_1012 = arith.mulf %sub3A_1011, %sub3A_1011 : vector<64x256xf32>
      %reduce_sum3A_1013 = vector.shape_cast %integer_pow3A_1012 : vector<64x256xf32> to vector<1x64x256xf32>
      %reduce_sum3A_1014 = arith.constant dense<0.000000e+00> : vector<1xf32>
      %reduce_sum3A_1015 = vector.multi_reduction <add>, %reduce_sum3A_1013, %reduce_sum3A_1014 [1, 2] : vector<1x64x256xf32> to vector<1xf32>
      %reduce_sum3A_1016 = vector.shape_cast %reduce_sum3A_1015 : vector<1xf32> to vector<1x1x1xf32>
      %reduce_sum3A_1017 = vector.extract %reduce_sum3A_1016[0, 0, 0] : f32 from vector<1x1x1xf32>
      %div3A_1018 = arith.constant 1.638400e+04 : f32
      %div3A_1019 = arith.divf %reduce_sum3A_1017, %div3A_1018 : f32
      %sub3A_1020 = vector.broadcast %div3A_1009 : f32 to vector<64x256xf32>
      %sub3A_1021 = arith.subf %slice3A_1002, %sub3A_1020 : vector<64x256xf32>
      %add3A_1022 = arith.constant 9.99999974E-6 : f32
      %add3A_1023 = arith.addf %div3A_1019, %add3A_1022 : f32
      %rsqrt3A_1024 = math.rsqrt %add3A_1023 : f32
      %mul3A_1025 = vector.broadcast %rsqrt3A_1024 : f32 to vector<64x256xf32>
      %mul3A_1026 = arith.mulf %sub3A_1021, %mul3A_1025 : vector<64x256xf32>
      %get3A_1027 = arith.constant 0 : index
      %get3A_1028 = arith.constant 0 : index
      %get3A_1029 = vector.load %arg4[%get3A_1027, %get3A_1028] : memref<64x256xf32, #tpu.memory_space<vmem>>, vector<64x256xf32>
      %mul3A_1030 = arith.mulf %mul3A_1026, %get3A_1029 : vector<64x256xf32>
      %get3A_1031 = arith.constant 0 : index
      %get3A_1032 = arith.constant 0 : index
      %get3A_1033 = vector.load %arg5[%get3A_1031, %get3A_1032] : memref<64x256xf32, #tpu.memory_space<vmem>>, vector<64x256xf32>
      %add3A_1034 = arith.addf %mul3A_1030, %get3A_1033 : vector<64x256xf32>
      %convert_element_type3A_1035 = arith.truncf %add3A_1034 : vector<64x256xf32> to vector<64x256xbf16>
      %swap3A_1036 = arith.constant 14 : index
      %swap3A_1037 = arith.constant 0 : index
      %swap3A_1038 = arith.constant 0 : index
      %swap3A_1039 = vector.load %arg11[%swap3A_1036, %swap3A_1037, %swap3A_1038] : memref<16x64x256xbf16, #tpu.memory_space<vmem>>, vector<1x64x256xbf16>
      %swap3A_1040 = vector.shape_cast %swap3A_1039 : vector<1x64x256xbf16> to vector<64x256xbf16>
      %swap3A_1041 = vector.shape_cast %convert_element_type3A_1035 : vector<64x256xbf16> to vector<1x64x256xbf16>
      tpu.vector_store %arg11[%swap3A_1036, %swap3A_1037, %swap3A_1038], %swap3A_1041 {strides = array<i32>} : memref<16x64x256xbf16, #tpu.memory_space<vmem>>, vector<1x64x256xbf16>,
      %slice3A_1042 = vector.extract_strided_slice %add3A_1001 {offsets = [64, 0], sizes = [64, 256], strides = [1, 1]} : vector<128x256xf32> to vector<64x256xf32>
      %logistic3A_1043 = arith.negf %slice3A_1042 : vector<64x256xf32>
      %logistic3A_1044 = math.exp %logistic3A_1043 : vector<64x256xf32>
      %logistic3A_1045 = arith.constant 1.000000e+00 : f32
      %logistic3A_1046 = vector.broadcast %logistic3A_1045 : f32 to vector<64x256xf32>
      %logistic3A_1047 = arith.addf %logistic3A_1046, %logistic3A_1044 : vector<64x256xf32>
      %logistic3A_1048 = arith.divf %logistic3A_1046, %logistic3A_1047 : vector<64x256xf32>
      %mul3A_1049 = arith.mulf %slice3A_1042, %logistic3A_1048 : vector<64x256xf32>
      %swap3A_1050 = arith.constant 14 : index
      %swap3A_1051 = arith.constant 0 : index
      %swap3A_1052 = arith.constant 0 : index
      %swap3A_1053 = vector.load %arg10[%swap3A_1050, %swap3A_1051, %swap3A_1052] : memref<16x64x256xf32, #tpu.memory_space<vmem>>, vector<1x64x256xf32>
      %swap3A_1054 = vector.shape_cast %swap3A_1053 : vector<1x64x256xf32> to vector<64x256xf32>
      %swap3A_1055 = vector.shape_cast %mul3A_1049 : vector<64x256xf32> to vector<1x64x256xf32>
      tpu.vector_store %arg10[%swap3A_1050, %swap3A_1051, %swap3A_1052], %swap3A_1055 {strides = array<i32>} : memref<16x64x256xf32, #tpu.memory_space<vmem>>, vector<1x64x256xf32>,
      %get3A_1056 = arith.constant 15 : index
      %get3A_1057 = arith.constant 0 : index
      %get3A_1058 = arith.constant 0 : index
      %get3A_1059 = vector.load %arg1[%get3A_1056, %get3A_1057, %get3A_1058] : memref<16x256x256xf32, #tpu.memory_space<vmem>>, vector<1x256x256xf32>
      %get3A_1060 = vector.shape_cast %get3A_1059 : vector<1x256x256xf32> to vector<256x256xf32>
      %logistic3A_1061 = arith.negf %get3A_1060 : vector<256x256xf32>
      %logistic3A_1062 = math.exp %logistic3A_1061 : vector<256x256xf32>
      %logistic3A_1063 = arith.constant 1.000000e+00 : f32
      %logistic3A_1064 = vector.broadcast %logistic3A_1063 : f32 to vector<256x256xf32>
      %logistic3A_1065 = arith.addf %logistic3A_1064, %logistic3A_1062 : vector<256x256xf32>
      %logistic3A_1066 = arith.divf %logistic3A_1064, %logistic3A_1065 : vector<256x256xf32>
      %mul3A_1067 = arith.mulf %get3A_1060, %logistic3A_1066 : vector<256x256xf32>
      %dot_general3A_1068 = arith.constant dense<0.000000e+00> : vector<128x256xf32>
      %dot_general3A_1069 = tpu.matmul %get3A_13, %mul3A_1067, %dot_general3A_1068 {dimension_numbers = #tpu.dot_dimension_numbers<[1], [0], [0], [1], [0, 0, 1, 1], [], []>, transpose_lhs_hint = false} : vector<128x256xf32>, vector<256x256xf32>, vector<128x256xf32> -> vector<128x256xf32>
      %add3A_1070 = vector.broadcast %get3A_16 : vector<128x1xf32> to vector<128x256xf32>
      %add3A_1071 = arith.addf %dot_general3A_1069, %add3A_1070 : vector<128x256xf32>
      %slice3A_1072 = vector.extract_strided_slice %add3A_1071 {offsets = [0, 0], sizes = [64, 256], strides = [1, 1]} : vector<128x256xf32> to vector<64x256xf32>
      %reduce_sum3A_1073 = vector.shape_cast %slice3A_1072 : vector<64x256xf32> to vector<1x64x256xf32>
      %reduce_sum3A_1074 = arith.constant dense<0.000000e+00> : vector<1xf32>
      %reduce_sum3A_1075 = vector.multi_reduction <add>, %reduce_sum3A_1073, %reduce_sum3A_1074 [1, 2] : vector<1x64x256xf32> to vector<1xf32>
      %reduce_sum3A_1076 = vector.shape_cast %reduce_sum3A_1075 : vector<1xf32> to vector<1x1x1xf32>
      %reduce_sum3A_1077 = vector.extract %reduce_sum3A_1076[0, 0, 0] : f32 from vector<1x1x1xf32>
      %div3A_1078 = arith.constant 1.638400e+04 : f32
      %div3A_1079 = arith.divf %reduce_sum3A_1077, %div3A_1078 : f32
      %sub3A_1080 = vector.broadcast %div3A_1079 : f32 to vector<64x256xf32>
      %sub3A_1081 = arith.subf %slice3A_1072, %sub3A_1080 : vector<64x256xf32>
      %integer_pow3A_1082 = arith.mulf %sub3A_1081, %sub3A_1081 : vector<64x256xf32>
      %reduce_sum3A_1083 = vector.shape_cast %integer_pow3A_1082 : vector<64x256xf32> to vector<1x64x256xf32>
      %reduce_sum3A_1084 = arith.constant dense<0.000000e+00> : vector<1xf32>
      %reduce_sum3A_1085 = vector.multi_reduction <add>, %reduce_sum3A_1083, %reduce_sum3A_1084 [1, 2] : vector<1x64x256xf32> to vector<1xf32>
      %reduce_sum3A_1086 = vector.shape_cast %reduce_sum3A_1085 : vector<1xf32> to vector<1x1x1xf32>
      %reduce_sum3A_1087 = vector.extract %reduce_sum3A_1086[0, 0, 0] : f32 from vector<1x1x1xf32>
      %div3A_1088 = arith.constant 1.638400e+04 : f32
      %div3A_1089 = arith.divf %reduce_sum3A_1087, %div3A_1088 : f32
      %sub3A_1090 = vector.broadcast %div3A_1079 : f32 to vector<64x256xf32>
      %sub3A_1091 = arith.subf %slice3A_1072, %sub3A_1090 : vector<64x256xf32>
      %add3A_1092 = arith.constant 9.99999974E-6 : f32
      %add3A_1093 = arith.addf %div3A_1089, %add3A_1092 : f32
      %rsqrt3A_1094 = math.rsqrt %add3A_1093 : f32
      %mul3A_1095 = vector.broadcast %rsqrt3A_1094 : f32 to vector<64x256xf32>
      %mul3A_1096 = arith.mulf %sub3A_1091, %mul3A_1095 : vector<64x256xf32>
      %get3A_1097 = arith.constant 0 : index
      %get3A_1098 = arith.constant 0 : index
      %get3A_1099 = vector.load %arg4[%get3A_1097, %get3A_1098] : memref<64x256xf32, #tpu.memory_space<vmem>>, vector<64x256xf32>
      %mul3A_1100 = arith.mulf %mul3A_1096, %get3A_1099 : vector<64x256xf32>
      %get3A_1101 = arith.constant 0 : index
      %get3A_1102 = arith.constant 0 : index
      %get3A_1103 = vector.load %arg5[%get3A_1101, %get3A_1102] : memref<64x256xf32, #tpu.memory_space<vmem>>, vector<64x256xf32>
      %add3A_1104 = arith.addf %mul3A_1100, %get3A_1103 : vector<64x256xf32>
      %convert_element_type3A_1105 = arith.truncf %add3A_1104 : vector<64x256xf32> to vector<64x256xbf16>
      %swap3A_1106 = arith.constant 15 : index
      %swap3A_1107 = arith.constant 0 : index
      %swap3A_1108 = arith.constant 0 : index
      %swap3A_1109 = vector.load %arg11[%swap3A_1106, %swap3A_1107, %swap3A_1108] : memref<16x64x256xbf16, #tpu.memory_space<vmem>>, vector<1x64x256xbf16>
      %swap3A_1110 = vector.shape_cast %swap3A_1109 : vector<1x64x256xbf16> to vector<64x256xbf16>
      %swap3A_1111 = vector.shape_cast %convert_element_type3A_1105 : vector<64x256xbf16> to vector<1x64x256xbf16>
      tpu.vector_store %arg11[%swap3A_1106, %swap3A_1107, %swap3A_1108], %swap3A_1111 {strides = array<i32>} : memref<16x64x256xbf16, #tpu.memory_space<vmem>>, vector<1x64x256xbf16>,
      %slice3A_1112 = vector.extract_strided_slice %add3A_1071 {offsets = [64, 0], sizes = [64, 256], strides = [1, 1]} : vector<128x256xf32> to vector<64x256xf32>
      %logistic3A_1113 = arith.negf %slice3A_1112 : vector<64x256xf32>
      %logistic3A_1114 = math.exp %logistic3A_1113 : vector<64x256xf32>
      %logistic3A_1115 = arith.constant 1.000000e+00 : f32
      %logistic3A_1116 = vector.broadcast %logistic3A_1115 : f32 to vector<64x256xf32>
      %logistic3A_1117 = arith.addf %logistic3A_1116, %logistic3A_1114 : vector<64x256xf32>
      %logistic3A_1118 = arith.divf %logistic3A_1116, %logistic3A_1117 : vector<64x256xf32>
      %mul3A_1119 = arith.mulf %slice3A_1112, %logistic3A_1118 : vector<64x256xf32>
      %swap3A_1120 = arith.constant 15 : index
      %swap3A_1121 = arith.constant 0 : index
      %swap3A_1122 = arith.constant 0 : index
      %swap3A_1123 = vector.load %arg10[%swap3A_1120, %swap3A_1121, %swap3A_1122] : memref<16x64x256xf32, #tpu.memory_space<vmem>>, vector<1x64x256xf32>
      %swap3A_1124 = vector.shape_cast %swap3A_1123 : vector<1x64x256xf32> to vector<64x256xf32>
      %swap3A_1125 = vector.shape_cast %mul3A_1119 : vector<64x256xf32> to vector<1x64x256xf32>
      tpu.vector_store %arg10[%swap3A_1120, %swap3A_1121, %swap3A_1122], %swap3A_1125 {strides = array<i32>} : memref<16x64x256xf32, #tpu.memory_space<vmem>>, vector<1x64x256xf32>,
    } else {
    }
    %ge3A = arith.constant 1 : i32
    %ge3A_2 = arith.cmpi sge, %arg0, %ge3A : i32
    %le3A = arith.constant 16 : i32
    %le3A_3 = arith.cmpi sle, %arg0, %le3A : i32
    %and3A = arith.andi %ge3A_2, %le3A_3 : i1
    %convert_element_type3A_4 = arith.extui %and3A : i1 to i32
    %cond3A_5 = arith.constant 0 : i32
    %cond3A_6 = arith.cmpi ne, %convert_element_type3A_4, %cond3A_5 : i32
    scf.if %cond3A_6 {
      %get3A = arith.constant 0 : index
      %get3A_12 = arith.constant 0 : index
      %get3A_13 = arith.constant 0 : index
      %get3A_14 = vector.load %arg11[%get3A, %get3A_12, %get3A_13] : memref<16x64x256xbf16, #tpu.memory_space<vmem>>, vector<16x64x256xbf16>
      %reshape3A = vector.shape_cast %get3A_14 : vector<16x64x256xbf16> to vector<16x16384xbf16>
      %convert_element_type3A_15 = arith.extf %reshape3A : vector<16x16384xbf16> to vector<16x16384xf32>
      %get3A_16 = arith.constant 0 : index
      %get3A_17 = arith.constant 0 : index
      %get3A_18 = vector.load %arg6[%get3A_16, %get3A_17] : memref<128x16384xf32, #tpu.memory_space<vmem>>, vector<128x16384xf32>
      %dot_general3A = arith.constant dense<0.000000e+00> : vector<16x128xf32>
      %dot_general3A_19 = tpu.matmul %convert_element_type3A_15, %get3A_18, %dot_general3A {dimension_numbers = #tpu.dot_dimension_numbers<[1], [1], [0], [0], [0, 0, 1, 0], [], []>, transpose_lhs_hint = false} : vector<16x16384xf32>, vector<128x16384xf32>, vector<16x128xf32> -> vector<16x128xf32>
      %get3A_20 = arith.constant 0 : index
      %get3A_21 = arith.constant 0 : index
      %get3A_22 = arith.constant 0 : index
      %get3A_23 = vector.load %arg7[%get3A_20, %get3A_21, %get3A_22] : memref<1x1x128xf32, #tpu.memory_space<vmem>>, vector<1x1x128xf32>
      %get3A_24 = vector.shape_cast %get3A_23 : vector<1x1x128xf32> to vector<1x128xf32>
      %add3A = vector.broadcast %get3A_24 : vector<1x128xf32> to vector<16x128xf32>
      %add3A_25 = arith.addf %dot_general3A_19, %add3A : vector<16x128xf32>
      %logistic3A = arith.negf %add3A_25 : vector<16x128xf32>
      %logistic3A_26 = math.exp %logistic3A : vector<16x128xf32>
      %logistic3A_27 = arith.constant 1.000000e+00 : f32
      %logistic3A_28 = vector.broadcast %logistic3A_27 : f32 to vector<16x128xf32>
      %logistic3A_29 = arith.addf %logistic3A_28, %logistic3A_26 : vector<16x128xf32>
      %logistic3A_30 = arith.divf %logistic3A_28, %logistic3A_29 : vector<16x128xf32>
      %mul3A = arith.mulf %add3A_25, %logistic3A_30 : vector<16x128xf32>
      %sub3A = arith.constant 1 : i32
      %sub3A_31 = arith.subi %arg0, %sub3A : i32
      %mul3A_32 = arith.constant 128 : i32
      %mul3A_33 = arith.muli %sub3A_31, %mul3A_32 : i32
      %swap3A = arith.constant 0 : index
      %swap3A_34 = arith.index_cast %mul3A_33 : i32 to index
      %swap3A_35 = vector.load %arg12[%swap3A, %swap3A_34] : memref<16x2048xf32, #tpu.memory_space<vmem>>, vector<16x128xf32>
      tpu.vector_store %arg12[%swap3A, %swap3A_34], %mul3A {strides = array<i32>} : memref<16x2048xf32, #tpu.memory_space<vmem>>, vector<16x128xf32>,
    } else {
    }
    %eq3A_7 = arith.constant 17 : i32
    %eq3A_8 = arith.cmpi eq, %arg0, %eq3A_7 : i32
    %convert_element_type3A_9 = arith.extui %eq3A_8 : i1 to i32
    %cond3A_10 = arith.constant 0 : i32
    %cond3A_11 = arith.cmpi ne, %convert_element_type3A_9, %cond3A_10 : i32
    scf.if %cond3A_11 {
      %get3A = arith.constant 0 : index
      %get3A_12 = arith.constant 0 : index
      %get3A_13 = vector.load %arg8[%get3A, %get3A_12] : memref<1024x64xf32, #tpu.memory_space<vmem>>, vector<1024x64xf32>
      %broadcast_in_dim3A = arith.constant 1.000000e+00 : f32
      %broadcast_in_dim3A_14 = vector.broadcast %broadcast_in_dim3A : f32 to vector<1x64xf32>
      %mul3A = arith.mulf %get3A_13, %get3A_13 : vector<1024x64xf32>
      %dot_general3A = arith.constant dense<0.000000e+00> : vector<1x1024xf32>
      %dot_general3A_15 = tpu.matmul %broadcast_in_dim3A_14, %mul3A, %dot_general3A {dimension_numbers = #tpu.dot_dimension_numbers<[1], [1], [0], [0], [0, 0, 1, 0], [], []>, transpose_lhs_hint = false} : vector<1x64xf32>, vector<1024x64xf32>, vector<1x1024xf32> -> vector<1x1024xf32>
      %iota3A = tpu.iota {dimensions = array<i32: 1>} : vector<128x1024xi32>
      %get3A_16 = arith.constant 0 : index
      %get3A_17 = arith.constant 0 : index
      %get3A_18 = vector.load %arg12[%get3A_16, %get3A_17] : memref<16x2048xf32, #tpu.memory_space<vmem>>, vector<4x2048xf32>
      %reshape3A = vector.shape_cast %get3A_18 : vector<4x2048xf32> to vector<4x64x32xf32>
      %transpose3A = tpu.transpose %reshape3A, [0, 2, 1] : vector<4x64x32xf32> -> vector<4x32x64xf32>
      %reshape3A_19 = vector.shape_cast %transpose3A : vector<4x32x64xf32> to vector<128x64xf32>
      %dot_general3A_20 = arith.constant dense<0.000000e+00> : vector<128x1024xf32>
      %dot_general3A_21 = tpu.matmul %reshape3A_19, %get3A_13, %dot_general3A_20 {dimension_numbers = #tpu.dot_dimension_numbers<[1], [1], [0], [0], [0, 0, 1, 0], [], []>, transpose_lhs_hint = false} : vector<128x64xf32>, vector<1024x64xf32>, vector<128x1024xf32> -> vector<128x1024xf32>
      %mul3A_22 = arith.constant 2.000000e+00 : f32
      %mul3A_23 = vector.broadcast %mul3A_22 : f32 to vector<128x1024xf32>
      %mul3A_24 = arith.mulf %mul3A_23, %dot_general3A_21 : vector<128x1024xf32>
      %sub3A = vector.broadcast %dot_general3A_15 : vector<1x1024xf32> to vector<128x1024xf32>
      %sub3A_25 = arith.subf %sub3A, %mul3A_24 : vector<128x1024xf32>
      %reduce_min3A = arith.constant dense<0x7F800000> : vector<128xf32>
      %reduce_min3A_26 = vector.multi_reduction <minimumf>, %sub3A_25, %reduce_min3A [1] : vector<128x1024xf32> to vector<128xf32>
      %broadcast_in_dim3A_27 = vector.shape_cast %reduce_min3A_26 : vector<128xf32> to vector<128x1xf32>
      %le3A_28 = vector.broadcast %broadcast_in_dim3A_27 : vector<128x1xf32> to vector<128x1024xf32>
      %le3A_29 = arith.cmpf ole, %sub3A_25, %le3A_28 : vector<128x1024xf32>
      %jit3A = arith.constant 1024 : i32
      %broadcast_in_dim3A_30 = vector.broadcast %jit3A : i32 to vector<128x1024xi32>
      %select_n3A = arith.select %le3A_29, %iota3A, %broadcast_in_dim3A_30 : vector<128x1024xi1>, vector<128x1024xi32>
      %reduce_min3A_31 = arith.constant dense<2147483647> : vector<128xi32>
      %reduce_min3A_32 = vector.multi_reduction <minsi>, %select_n3A, %reduce_min3A_31 [1] : vector<128x1024xi32> to vector<128xi32>
      %broadcast_in_dim3A_33 = vector.shape_cast %reduce_min3A_32 : vector<128xi32> to vector<128x1xi32>
      %swap3A = arith.constant 0 : index
      %swap3A_34 = arith.constant 0 : index
      %swap3A_35 = vector.load %arg9[%swap3A, %swap3A_34] : memref<512x1xi32, #tpu.memory_space<vmem>>, vector<128x1xi32>
      tpu.vector_store %arg9[%swap3A, %swap3A_34], %broadcast_in_dim3A_33 {strides = array<i32>} : memref<512x1xi32, #tpu.memory_space<vmem>>, vector<128x1xi32>,
      %get3A_36 = arith.constant 4 : index
      %get3A_37 = arith.constant 0 : index
      %get3A_38 = vector.load %arg12[%get3A_36, %get3A_37] : memref<16x2048xf32, #tpu.memory_space<vmem>>, vector<4x2048xf32>
      %reshape3A_39 = vector.shape_cast %get3A_38 : vector<4x2048xf32> to vector<4x64x32xf32>
      %transpose3A_40 = tpu.transpose %reshape3A_39, [0, 2, 1] : vector<4x64x32xf32> -> vector<4x32x64xf32>
      %reshape3A_41 = vector.shape_cast %transpose3A_40 : vector<4x32x64xf32> to vector<128x64xf32>
      %dot_general3A_42 = arith.constant dense<0.000000e+00> : vector<128x1024xf32>
      %dot_general3A_43 = tpu.matmul %reshape3A_41, %get3A_13, %dot_general3A_42 {dimension_numbers = #tpu.dot_dimension_numbers<[1], [1], [0], [0], [0, 0, 1, 0], [], []>, transpose_lhs_hint = false} : vector<128x64xf32>, vector<1024x64xf32>, vector<128x1024xf32> -> vector<128x1024xf32>
      %mul3A_44 = arith.constant 2.000000e+00 : f32
      %mul3A_45 = vector.broadcast %mul3A_44 : f32 to vector<128x1024xf32>
      %mul3A_46 = arith.mulf %mul3A_45, %dot_general3A_43 : vector<128x1024xf32>
      %sub3A_47 = vector.broadcast %dot_general3A_15 : vector<1x1024xf32> to vector<128x1024xf32>
      %sub3A_48 = arith.subf %sub3A_47, %mul3A_46 : vector<128x1024xf32>
      %reduce_min3A_49 = arith.constant dense<0x7F800000> : vector<128xf32>
      %reduce_min3A_50 = vector.multi_reduction <minimumf>, %sub3A_48, %reduce_min3A_49 [1] : vector<128x1024xf32> to vector<128xf32>
      %broadcast_in_dim3A_51 = vector.shape_cast %reduce_min3A_50 : vector<128xf32> to vector<128x1xf32>
      %le3A_52 = vector.broadcast %broadcast_in_dim3A_51 : vector<128x1xf32> to vector<128x1024xf32>
      %le3A_53 = arith.cmpf ole, %sub3A_48, %le3A_52 : vector<128x1024xf32>
      %jit3A_54 = arith.constant 1024 : i32
      %broadcast_in_dim3A_55 = vector.broadcast %jit3A_54 : i32 to vector<128x1024xi32>
      %select_n3A_56 = arith.select %le3A_53, %iota3A, %broadcast_in_dim3A_55 : vector<128x1024xi1>, vector<128x1024xi32>
      %reduce_min3A_57 = arith.constant dense<2147483647> : vector<128xi32>
      %reduce_min3A_58 = vector.multi_reduction <minsi>, %select_n3A_56, %reduce_min3A_57 [1] : vector<128x1024xi32> to vector<128xi32>
      %broadcast_in_dim3A_59 = vector.shape_cast %reduce_min3A_58 : vector<128xi32> to vector<128x1xi32>
      %swap3A_60 = arith.constant 128 : index
      %swap3A_61 = arith.constant 0 : index
      %swap3A_62 = vector.load %arg9[%swap3A_60, %swap3A_61] : memref<512x1xi32, #tpu.memory_space<vmem>>, vector<128x1xi32>
      tpu.vector_store %arg9[%swap3A_60, %swap3A_61], %broadcast_in_dim3A_59 {strides = array<i32>} : memref<512x1xi32, #tpu.memory_space<vmem>>, vector<128x1xi32>,
      %get3A_63 = arith.constant 8 : index
      %get3A_64 = arith.constant 0 : index
      %get3A_65 = vector.load %arg12[%get3A_63, %get3A_64] : memref<16x2048xf32, #tpu.memory_space<vmem>>, vector<4x2048xf32>
      %reshape3A_66 = vector.shape_cast %get3A_65 : vector<4x2048xf32> to vector<4x64x32xf32>
      %transpose3A_67 = tpu.transpose %reshape3A_66, [0, 2, 1] : vector<4x64x32xf32> -> vector<4x32x64xf32>
      %reshape3A_68 = vector.shape_cast %transpose3A_67 : vector<4x32x64xf32> to vector<128x64xf32>
      %dot_general3A_69 = arith.constant dense<0.000000e+00> : vector<128x1024xf32>
      %dot_general3A_70 = tpu.matmul %reshape3A_68, %get3A_13, %dot_general3A_69 {dimension_numbers = #tpu.dot_dimension_numbers<[1], [1], [0], [0], [0, 0, 1, 0], [], []>, transpose_lhs_hint = false} : vector<128x64xf32>, vector<1024x64xf32>, vector<128x1024xf32> -> vector<128x1024xf32>
      %mul3A_71 = arith.constant 2.000000e+00 : f32
      %mul3A_72 = vector.broadcast %mul3A_71 : f32 to vector<128x1024xf32>
      %mul3A_73 = arith.mulf %mul3A_72, %dot_general3A_70 : vector<128x1024xf32>
      %sub3A_74 = vector.broadcast %dot_general3A_15 : vector<1x1024xf32> to vector<128x1024xf32>
      %sub3A_75 = arith.subf %sub3A_74, %mul3A_73 : vector<128x1024xf32>
      %reduce_min3A_76 = arith.constant dense<0x7F800000> : vector<128xf32>
      %reduce_min3A_77 = vector.multi_reduction <minimumf>, %sub3A_75, %reduce_min3A_76 [1] : vector<128x1024xf32> to vector<128xf32>
      %broadcast_in_dim3A_78 = vector.shape_cast %reduce_min3A_77 : vector<128xf32> to vector<128x1xf32>
      %le3A_79 = vector.broadcast %broadcast_in_dim3A_78 : vector<128x1xf32> to vector<128x1024xf32>
      %le3A_80 = arith.cmpf ole, %sub3A_75, %le3A_79 : vector<128x1024xf32>
      %jit3A_81 = arith.constant 1024 : i32
      %broadcast_in_dim3A_82 = vector.broadcast %jit3A_81 : i32 to vector<128x1024xi32>
      %select_n3A_83 = arith.select %le3A_80, %iota3A, %broadcast_in_dim3A_82 : vector<128x1024xi1>, vector<128x1024xi32>
      %reduce_min3A_84 = arith.constant dense<2147483647> : vector<128xi32>
      %reduce_min3A_85 = vector.multi_reduction <minsi>, %select_n3A_83, %reduce_min3A_84 [1] : vector<128x1024xi32> to vector<128xi32>
      %broadcast_in_dim3A_86 = vector.shape_cast %reduce_min3A_85 : vector<128xi32> to vector<128x1xi32>
      %swap3A_87 = arith.constant 256 : index
      %swap3A_88 = arith.constant 0 : index
      %swap3A_89 = vector.load %arg9[%swap3A_87, %swap3A_88] : memref<512x1xi32, #tpu.memory_space<vmem>>, vector<128x1xi32>
      tpu.vector_store %arg9[%swap3A_87, %swap3A_88], %broadcast_in_dim3A_86 {strides = array<i32>} : memref<512x1xi32, #tpu.memory_space<vmem>>, vector<128x1xi32>,
      %get3A_90 = arith.constant 12 : index
      %get3A_91 = arith.constant 0 : index
      %get3A_92 = vector.load %arg12[%get3A_90, %get3A_91] : memref<16x2048xf32, #tpu.memory_space<vmem>>, vector<4x2048xf32>
      %reshape3A_93 = vector.shape_cast %get3A_92 : vector<4x2048xf32> to vector<4x64x32xf32>
      %transpose3A_94 = tpu.transpose %reshape3A_93, [0, 2, 1] : vector<4x64x32xf32> -> vector<4x32x64xf32>
      %reshape3A_95 = vector.shape_cast %transpose3A_94 : vector<4x32x64xf32> to vector<128x64xf32>
      %dot_general3A_96 = arith.constant dense<0.000000e+00> : vector<128x1024xf32>
      %dot_general3A_97 = tpu.matmul %reshape3A_95, %get3A_13, %dot_general3A_96 {dimension_numbers = #tpu.dot_dimension_numbers<[1], [1], [0], [0], [0, 0, 1, 0], [], []>, transpose_lhs_hint = false} : vector<128x64xf32>, vector<1024x64xf32>, vector<128x1024xf32> -> vector<128x1024xf32>
      %mul3A_98 = arith.constant 2.000000e+00 : f32
      %mul3A_99 = vector.broadcast %mul3A_98 : f32 to vector<128x1024xf32>
      %mul3A_100 = arith.mulf %mul3A_99, %dot_general3A_97 : vector<128x1024xf32>
      %sub3A_101 = vector.broadcast %dot_general3A_15 : vector<1x1024xf32> to vector<128x1024xf32>
      %sub3A_102 = arith.subf %sub3A_101, %mul3A_100 : vector<128x1024xf32>
      %reduce_min3A_103 = arith.constant dense<0x7F800000> : vector<128xf32>
      %reduce_min3A_104 = vector.multi_reduction <minimumf>, %sub3A_102, %reduce_min3A_103 [1] : vector<128x1024xf32> to vector<128xf32>
      %broadcast_in_dim3A_105 = vector.shape_cast %reduce_min3A_104 : vector<128xf32> to vector<128x1xf32>
      %le3A_106 = vector.broadcast %broadcast_in_dim3A_105 : vector<128x1xf32> to vector<128x1024xf32>
      %le3A_107 = arith.cmpf ole, %sub3A_102, %le3A_106 : vector<128x1024xf32>
      %jit3A_108 = arith.constant 1024 : i32
      %broadcast_in_dim3A_109 = vector.broadcast %jit3A_108 : i32 to vector<128x1024xi32>
      %select_n3A_110 = arith.select %le3A_107, %iota3A, %broadcast_in_dim3A_109 : vector<128x1024xi1>, vector<128x1024xi32>
      %reduce_min3A_111 = arith.constant dense<2147483647> : vector<128xi32>
      %reduce_min3A_112 = vector.multi_reduction <minsi>, %select_n3A_110, %reduce_min3A_111 [1] : vector<128x1024xi32> to vector<128xi32>
      %broadcast_in_dim3A_113 = vector.shape_cast %reduce_min3A_112 : vector<128xi32> to vector<128x1xi32>
      %swap3A_114 = arith.constant 384 : index
      %swap3A_115 = arith.constant 0 : index
      %swap3A_116 = vector.load %arg9[%swap3A_114, %swap3A_115] : memref<512x1xi32, #tpu.memory_space<vmem>>, vector<128x1xi32>
      tpu.vector_store %arg9[%swap3A_114, %swap3A_115], %broadcast_in_dim3A_113 {strides = array<i32>} : memref<512x1xi32, #tpu.memory_space<vmem>>, vector<128x1xi32>,
    } else {
    }
    return
  }
  func.func @transform_0(%arg0: i32) -> (i32, i32, i32) {
    %c0_i32 = arith.constant 0 : i32
    %c0_i32_0 = arith.constant 0 : i32
    %c0_i32_1 = arith.constant 0 : i32
    %c0_i32_2 = arith.constant 0 : i32
    return %c0_i32, %c0_i32_0, %c0_i32_1 : i32, i32, i32
  }
  func.func @transform_1(%arg0: i32) -> (i32, i32) {
    %c0_i32 = arith.constant 0 : i32
    %c0_i32_0 = arith.constant 0 : i32
    %c0_i32_1 = arith.constant 0 : i32
    return %c0_i32, %c0_i32_0 : i32, i32
  }
  func.func @transform_2(%arg0: i32) -> (i32, i32) {
    %c0_i32 = arith.constant 0 : i32
    %c0_i32_0 = arith.constant 0 : i32
    %c0_i32_1 = arith.constant 0 : i32
    return %c0_i32, %c0_i32_0 : i32, i32
  }
  func.func @transform_3(%arg0: i32) -> (i32, i32) {
    %c0_i32 = arith.constant 0 : i32
    %c0_i32_0 = arith.constant 0 : i32
    %c0_i32_1 = arith.constant 0 : i32
    return %c0_i32, %c0_i32_0 : i32, i32
  }
  func.func @transform_4(%arg0: i32) -> (i32, i32) {
    %c0_i32 = arith.constant 0 : i32
    %c0_i32_0 = arith.constant 0 : i32
    %c0_i32_1 = arith.constant 0 : i32
    return %c0_i32, %c0_i32_0 : i32, i32
  }
  func.func @transform_5(%arg0: i32) -> (i32, i32) {
    %sub3A = arith.constant 1 : i32
    %sub3A_0 = arith.subi %arg0, %sub3A : i32
    %jit3A = arith.constant 0 : i32
    %jit3A_1 = arith.constant 15 : i32
    %max3A = arith.maxsi %jit3A, %sub3A_0 : i32
    %min3A = arith.minsi %jit3A_1, %max3A : i32
    %c0_i32 = arith.constant 0 : i32
    %c0_i32_2 = arith.constant 0 : i32
    return %min3A, %c0_i32 : i32, i32
  }
  func.func @transform_6(%arg0: i32) -> (i32, i32, i32) {
    %sub3A = arith.constant 1 : i32
    %sub3A_0 = arith.subi %arg0, %sub3A : i32
    %jit3A = arith.constant 0 : i32
    %jit3A_1 = arith.constant 15 : i32
    %max3A = arith.maxsi %jit3A, %sub3A_0 : i32
    %min3A = arith.minsi %jit3A_1, %max3A : i32
    %c0_i32 = arith.constant 0 : i32
    %c0_i32_2 = arith.constant 0 : i32
    %c0_i32_3 = arith.constant 0 : i32
    return %min3A, %c0_i32, %c0_i32_2 : i32, i32, i32
  }
  func.func @transform_7(%arg0: i32) -> (i32, i32) {
    %c0_i32 = arith.constant 0 : i32
    %c0_i32_0 = arith.constant 0 : i32
    %c0_i32_1 = arith.constant 0 : i32
    return %c0_i32, %c0_i32_0 : i32, i32
  }
  func.func @transform_8(%arg0: i32) -> (i32, i32) {
    %c0_i32 = arith.constant 0 : i32
    %c0_i32_0 = arith.constant 0 : i32
    %c0_i32_1 = arith.constant 0 : i32
    return %c0_i32, %c0_i32_0 : i32, i32
  }
  func.func @transform_9(%arg0: i32) -> (i32, i32, i32) {
    %c0_i32 = arith.constant 0 : i32
    %c0_i32_0 = arith.constant 0 : i32
    %c0_i32_1 = arith.constant 0 : i32
    %c0_i32_2 = arith.constant 0 : i32
    return %c0_i32, %c0_i32_0, %c0_i32_1 : i32, i32, i32
  }
}

module attributes {stable_mosaic.version = 14 : i64} {
  func.func @_mlp_out_kernel(%arg0: i32, %arg1: memref<16x2048xf32, #tpu.memory_space<vmem>>, %arg2: memref<1024x2048xf32, #tpu.memory_space<vmem>>, %arg3: memref<1x1x1024xf32, #tpu.memory_space<vmem>>, %arg4: memref<16x1024xf32, #tpu.memory_space<vmem>>) attributes {dimension_semantics = [#tpu.dimension_semantics<arbitrary>], iteration_bounds = array<i64: 16>, scalar_prefetch = 0 : i64, scratch_operands = 0 : i64, tpu.core_type = #tpu.core_type<tc>, window_params = [{pipeline_mode = #tpu.pipeline_mode<synchronous>, transform_indices = @transform_0, window_bounds = array<i64: 16, 2048>}, {transform_indices = @transform_1, window_bounds = array<i64: 1024, 2048>}, {transform_indices = @transform_2, window_bounds = array<i64: 1, 1, 1024>}, {transform_indices = @transform_3, window_bounds = array<i64: 16, 1024>}]} {
    %get3A = arith.constant 0 : index
    %get3A_0 = arith.constant 0 : index
    %get3A_1 = vector.load %arg1[%get3A, %get3A_0] : memref<16x2048xf32, #tpu.memory_space<vmem>>, vector<16x2048xf32>
    %get3A_2 = arith.constant 0 : index
    %get3A_3 = arith.constant 0 : index
    %get3A_4 = vector.load %arg2[%get3A_2, %get3A_3] : memref<1024x2048xf32, #tpu.memory_space<vmem>>, vector<1024x2048xf32>
    %dot_general3A = arith.constant dense<0.000000e+00> : vector<16x1024xf32>
    %dot_general3A_5 = tpu.matmul %get3A_1, %get3A_4, %dot_general3A {dimension_numbers = #tpu.dot_dimension_numbers<[1], [1], [0], [0], [0, 0, 1, 0], [], []>, transpose_lhs_hint = false} : vector<16x2048xf32>, vector<1024x2048xf32>, vector<16x1024xf32> -> vector<16x1024xf32>
    %get3A_6 = arith.constant 0 : index
    %get3A_7 = arith.constant 0 : index
    %get3A_8 = arith.constant 0 : index
    %get3A_9 = vector.load %arg3[%get3A_6, %get3A_7, %get3A_8] : memref<1x1x1024xf32, #tpu.memory_space<vmem>>, vector<1x1x1024xf32>
    %get3A_10 = vector.shape_cast %get3A_9 : vector<1x1x1024xf32> to vector<1x1024xf32>
    %add3A = vector.broadcast %get3A_10 : vector<1x1024xf32> to vector<16x1024xf32>
    %add3A_11 = arith.addf %dot_general3A_5, %add3A : vector<16x1024xf32>
    %logistic3A = arith.negf %add3A_11 : vector<16x1024xf32>
    %logistic3A_12 = math.exp %logistic3A : vector<16x1024xf32>
    %logistic3A_13 = arith.constant 1.000000e+00 : f32
    %logistic3A_14 = vector.broadcast %logistic3A_13 : f32 to vector<16x1024xf32>
    %logistic3A_15 = arith.addf %logistic3A_14, %logistic3A_12 : vector<16x1024xf32>
    %logistic3A_16 = arith.divf %logistic3A_14, %logistic3A_15 : vector<16x1024xf32>
    %mul3A = arith.mulf %add3A_11, %logistic3A_16 : vector<16x1024xf32>
    %swap3A = arith.constant 0 : index
    %swap3A_17 = arith.constant 0 : index
    %swap3A_18 = vector.load %arg4[%swap3A, %swap3A_17] : memref<16x1024xf32, #tpu.memory_space<vmem>>, vector<16x1024xf32>
    tpu.vector_store %arg4[%swap3A, %swap3A_17], %mul3A {strides = array<i32>} : memref<16x1024xf32, #tpu.memory_space<vmem>>, vector<16x1024xf32>,
    return
  }
  func.func @transform_0(%arg0: i32) -> (i32, i32) {
    %c0_i32 = arith.constant 0 : i32
    %c0_i32_0 = arith.constant 0 : i32
    %c0_i32_1 = arith.constant 0 : i32
    return %c0_i32, %c0_i32_0 : i32, i32
  }
  func.func @transform_1(%arg0: i32) -> (i32, i32) {
    %c0_i32 = arith.constant 0 : i32
    %c0_i32_0 = arith.constant 0 : i32
    return %arg0, %c0_i32 : i32, i32
  }
  func.func @transform_2(%arg0: i32) -> (i32, i32, i32) {
    %c0_i32 = arith.constant 0 : i32
    %c0_i32_0 = arith.constant 0 : i32
    %c0_i32_1 = arith.constant 0 : i32
    return %arg0, %c0_i32, %c0_i32_0 : i32, i32, i32
  }
  func.func @transform_3(%arg0: i32) -> (i32, i32) {
    %c0_i32 = arith.constant 0 : i32
    %c0_i32_0 = arith.constant 0 : i32
    return %c0_i32, %arg0 : i32, i32
  }
}

module attributes {stable_mosaic.version = 14 : i64} {
  func.func @_epilogue_kernel(%arg0: memref<16x64x256xf32, #tpu.memory_space<vmem>>, %arg1: memref<16x64x256xf32, #tpu.memory_space<vmem>>, %arg2: memref<256x128xf32, #tpu.memory_space<vmem>>, %arg3: memref<256x1xf32, #tpu.memory_space<vmem>>, %arg4: memref<16x256x256xf32, #tpu.memory_space<vmem>>) attributes {dimension_semantics = [], scalar_prefetch = 0 : i64, scratch_operands = 0 : i64, tpu.core_type = #tpu.core_type<tc>} {
    %get3A = arith.constant 0 : index
    %get3A_0 = arith.constant 0 : index
    %get3A_1 = vector.load %arg2[%get3A, %get3A_0] : memref<256x128xf32, #tpu.memory_space<vmem>>, vector<256x64xf32>
    %get3A_2 = arith.constant 0 : index
    %get3A_3 = arith.constant 64 : index
    %get3A_4 = vector.load %arg2[%get3A_2, %get3A_3] : memref<256x128xf32, #tpu.memory_space<vmem>>, vector<256x64xf32>
    %get3A_5 = arith.constant 0 : index
    %get3A_6 = arith.constant 0 : index
    %get3A_7 = vector.load %arg3[%get3A_5, %get3A_6] : memref<256x1xf32, #tpu.memory_space<vmem>>, vector<256x1xf32>
    %get3A_8 = arith.constant 0 : index
    %get3A_9 = arith.constant 0 : index
    %get3A_10 = arith.constant 0 : index
    %get3A_11 = vector.load %arg0[%get3A_8, %get3A_9, %get3A_10] : memref<16x64x256xf32, #tpu.memory_space<vmem>>, vector<1x64x256xf32>
    %get3A_12 = vector.shape_cast %get3A_11 : vector<1x64x256xf32> to vector<64x256xf32>
    %logistic3A = arith.negf %get3A_12 : vector<64x256xf32>
    %logistic3A_13 = math.exp %logistic3A : vector<64x256xf32>
    %logistic3A_14 = arith.constant 1.000000e+00 : f32
    %logistic3A_15 = vector.broadcast %logistic3A_14 : f32 to vector<64x256xf32>
    %logistic3A_16 = arith.addf %logistic3A_15, %logistic3A_13 : vector<64x256xf32>
    %logistic3A_17 = arith.divf %logistic3A_15, %logistic3A_16 : vector<64x256xf32>
    %mul3A = arith.mulf %get3A_12, %logistic3A_17 : vector<64x256xf32>
    %dot_general3A = arith.constant dense<0.000000e+00> : vector<256x256xf32>
    %dot_general3A_18 = tpu.matmul %get3A_1, %mul3A, %dot_general3A {dimension_numbers = #tpu.dot_dimension_numbers<[1], [0], [0], [1], [0, 0, 1, 1], [], []>, transpose_lhs_hint = false} : vector<256x64xf32>, vector<64x256xf32>, vector<256x256xf32> -> vector<256x256xf32>
    %get3A_19 = arith.constant 0 : index
    %get3A_20 = arith.constant 0 : index
    %get3A_21 = arith.constant 0 : index
    %get3A_22 = vector.load %arg1[%get3A_19, %get3A_20, %get3A_21] : memref<16x64x256xf32, #tpu.memory_space<vmem>>, vector<1x64x256xf32>
    %get3A_23 = vector.shape_cast %get3A_22 : vector<1x64x256xf32> to vector<64x256xf32>
    %dot_general3A_24 = arith.constant dense<0.000000e+00> : vector<256x256xf32>
    %dot_general3A_25 = tpu.matmul %get3A_4, %get3A_23, %dot_general3A_24 {dimension_numbers = #tpu.dot_dimension_numbers<[1], [0], [0], [1], [0, 0, 1, 1], [], []>, transpose_lhs_hint = false} : vector<256x64xf32>, vector<64x256xf32>, vector<256x256xf32> -> vector<256x256xf32>
    %add3A = arith.addf %dot_general3A_18, %dot_general3A_25 : vector<256x256xf32>
    %add3A_26 = vector.broadcast %get3A_7 : vector<256x1xf32> to vector<256x256xf32>
    %add3A_27 = arith.addf %add3A, %add3A_26 : vector<256x256xf32>
    %swap3A = arith.constant 0 : index
    %swap3A_28 = arith.constant 0 : index
    %swap3A_29 = arith.constant 0 : index
    %swap3A_30 = vector.load %arg4[%swap3A, %swap3A_28, %swap3A_29] : memref<16x256x256xf32, #tpu.memory_space<vmem>>, vector<1x256x256xf32>
    %swap3A_31 = vector.shape_cast %swap3A_30 : vector<1x256x256xf32> to vector<256x256xf32>
    %swap3A_32 = vector.shape_cast %add3A_27 : vector<256x256xf32> to vector<1x256x256xf32>
    tpu.vector_store %arg4[%swap3A, %swap3A_28, %swap3A_29], %swap3A_32 {strides = array<i32>} : memref<16x256x256xf32, #tpu.memory_space<vmem>>, vector<1x256x256xf32>,
    %get3A_33 = arith.constant 1 : index
    %get3A_34 = arith.constant 0 : index
    %get3A_35 = arith.constant 0 : index
    %get3A_36 = vector.load %arg0[%get3A_33, %get3A_34, %get3A_35] : memref<16x64x256xf32, #tpu.memory_space<vmem>>, vector<1x64x256xf32>
    %get3A_37 = vector.shape_cast %get3A_36 : vector<1x64x256xf32> to vector<64x256xf32>
    %logistic3A_38 = arith.negf %get3A_37 : vector<64x256xf32>
    %logistic3A_39 = math.exp %logistic3A_38 : vector<64x256xf32>
    %logistic3A_40 = arith.constant 1.000000e+00 : f32
    %logistic3A_41 = vector.broadcast %logistic3A_40 : f32 to vector<64x256xf32>
    %logistic3A_42 = arith.addf %logistic3A_41, %logistic3A_39 : vector<64x256xf32>
    %logistic3A_43 = arith.divf %logistic3A_41, %logistic3A_42 : vector<64x256xf32>
    %mul3A_44 = arith.mulf %get3A_37, %logistic3A_43 : vector<64x256xf32>
    %dot_general3A_45 = arith.constant dense<0.000000e+00> : vector<256x256xf32>
    %dot_general3A_46 = tpu.matmul %get3A_1, %mul3A_44, %dot_general3A_45 {dimension_numbers = #tpu.dot_dimension_numbers<[1], [0], [0], [1], [0, 0, 1, 1], [], []>, transpose_lhs_hint = false} : vector<256x64xf32>, vector<64x256xf32>, vector<256x256xf32> -> vector<256x256xf32>
    %get3A_47 = arith.constant 1 : index
    %get3A_48 = arith.constant 0 : index
    %get3A_49 = arith.constant 0 : index
    %get3A_50 = vector.load %arg1[%get3A_47, %get3A_48, %get3A_49] : memref<16x64x256xf32, #tpu.memory_space<vmem>>, vector<1x64x256xf32>
    %get3A_51 = vector.shape_cast %get3A_50 : vector<1x64x256xf32> to vector<64x256xf32>
    %dot_general3A_52 = arith.constant dense<0.000000e+00> : vector<256x256xf32>
    %dot_general3A_53 = tpu.matmul %get3A_4, %get3A_51, %dot_general3A_52 {dimension_numbers = #tpu.dot_dimension_numbers<[1], [0], [0], [1], [0, 0, 1, 1], [], []>, transpose_lhs_hint = false} : vector<256x64xf32>, vector<64x256xf32>, vector<256x256xf32> -> vector<256x256xf32>
    %add3A_54 = arith.addf %dot_general3A_46, %dot_general3A_53 : vector<256x256xf32>
    %add3A_55 = vector.broadcast %get3A_7 : vector<256x1xf32> to vector<256x256xf32>
    %add3A_56 = arith.addf %add3A_54, %add3A_55 : vector<256x256xf32>
    %swap3A_57 = arith.constant 1 : index
    %swap3A_58 = arith.constant 0 : index
    %swap3A_59 = arith.constant 0 : index
    %swap3A_60 = vector.load %arg4[%swap3A_57, %swap3A_58, %swap3A_59] : memref<16x256x256xf32, #tpu.memory_space<vmem>>, vector<1x256x256xf32>
    %swap3A_61 = vector.shape_cast %swap3A_60 : vector<1x256x256xf32> to vector<256x256xf32>
    %swap3A_62 = vector.shape_cast %add3A_56 : vector<256x256xf32> to vector<1x256x256xf32>
    tpu.vector_store %arg4[%swap3A_57, %swap3A_58, %swap3A_59], %swap3A_62 {strides = array<i32>} : memref<16x256x256xf32, #tpu.memory_space<vmem>>, vector<1x256x256xf32>,
    %get3A_63 = arith.constant 2 : index
    %get3A_64 = arith.constant 0 : index
    %get3A_65 = arith.constant 0 : index
    %get3A_66 = vector.load %arg0[%get3A_63, %get3A_64, %get3A_65] : memref<16x64x256xf32, #tpu.memory_space<vmem>>, vector<1x64x256xf32>
    %get3A_67 = vector.shape_cast %get3A_66 : vector<1x64x256xf32> to vector<64x256xf32>
    %logistic3A_68 = arith.negf %get3A_67 : vector<64x256xf32>
    %logistic3A_69 = math.exp %logistic3A_68 : vector<64x256xf32>
    %logistic3A_70 = arith.constant 1.000000e+00 : f32
    %logistic3A_71 = vector.broadcast %logistic3A_70 : f32 to vector<64x256xf32>
    %logistic3A_72 = arith.addf %logistic3A_71, %logistic3A_69 : vector<64x256xf32>
    %logistic3A_73 = arith.divf %logistic3A_71, %logistic3A_72 : vector<64x256xf32>
    %mul3A_74 = arith.mulf %get3A_67, %logistic3A_73 : vector<64x256xf32>
    %dot_general3A_75 = arith.constant dense<0.000000e+00> : vector<256x256xf32>
    %dot_general3A_76 = tpu.matmul %get3A_1, %mul3A_74, %dot_general3A_75 {dimension_numbers = #tpu.dot_dimension_numbers<[1], [0], [0], [1], [0, 0, 1, 1], [], []>, transpose_lhs_hint = false} : vector<256x64xf32>, vector<64x256xf32>, vector<256x256xf32> -> vector<256x256xf32>
    %get3A_77 = arith.constant 2 : index
    %get3A_78 = arith.constant 0 : index
    %get3A_79 = arith.constant 0 : index
    %get3A_80 = vector.load %arg1[%get3A_77, %get3A_78, %get3A_79] : memref<16x64x256xf32, #tpu.memory_space<vmem>>, vector<1x64x256xf32>
    %get3A_81 = vector.shape_cast %get3A_80 : vector<1x64x256xf32> to vector<64x256xf32>
    %dot_general3A_82 = arith.constant dense<0.000000e+00> : vector<256x256xf32>
    %dot_general3A_83 = tpu.matmul %get3A_4, %get3A_81, %dot_general3A_82 {dimension_numbers = #tpu.dot_dimension_numbers<[1], [0], [0], [1], [0, 0, 1, 1], [], []>, transpose_lhs_hint = false} : vector<256x64xf32>, vector<64x256xf32>, vector<256x256xf32> -> vector<256x256xf32>
    %add3A_84 = arith.addf %dot_general3A_76, %dot_general3A_83 : vector<256x256xf32>
    %add3A_85 = vector.broadcast %get3A_7 : vector<256x1xf32> to vector<256x256xf32>
    %add3A_86 = arith.addf %add3A_84, %add3A_85 : vector<256x256xf32>
    %swap3A_87 = arith.constant 2 : index
    %swap3A_88 = arith.constant 0 : index
    %swap3A_89 = arith.constant 0 : index
    %swap3A_90 = vector.load %arg4[%swap3A_87, %swap3A_88, %swap3A_89] : memref<16x256x256xf32, #tpu.memory_space<vmem>>, vector<1x256x256xf32>
    %swap3A_91 = vector.shape_cast %swap3A_90 : vector<1x256x256xf32> to vector<256x256xf32>
    %swap3A_92 = vector.shape_cast %add3A_86 : vector<256x256xf32> to vector<1x256x256xf32>
    tpu.vector_store %arg4[%swap3A_87, %swap3A_88, %swap3A_89], %swap3A_92 {strides = array<i32>} : memref<16x256x256xf32, #tpu.memory_space<vmem>>, vector<1x256x256xf32>,
    %get3A_93 = arith.constant 3 : index
    %get3A_94 = arith.constant 0 : index
    %get3A_95 = arith.constant 0 : index
    %get3A_96 = vector.load %arg0[%get3A_93, %get3A_94, %get3A_95] : memref<16x64x256xf32, #tpu.memory_space<vmem>>, vector<1x64x256xf32>
    %get3A_97 = vector.shape_cast %get3A_96 : vector<1x64x256xf32> to vector<64x256xf32>
    %logistic3A_98 = arith.negf %get3A_97 : vector<64x256xf32>
    %logistic3A_99 = math.exp %logistic3A_98 : vector<64x256xf32>
    %logistic3A_100 = arith.constant 1.000000e+00 : f32
    %logistic3A_101 = vector.broadcast %logistic3A_100 : f32 to vector<64x256xf32>
    %logistic3A_102 = arith.addf %logistic3A_101, %logistic3A_99 : vector<64x256xf32>
    %logistic3A_103 = arith.divf %logistic3A_101, %logistic3A_102 : vector<64x256xf32>
    %mul3A_104 = arith.mulf %get3A_97, %logistic3A_103 : vector<64x256xf32>
    %dot_general3A_105 = arith.constant dense<0.000000e+00> : vector<256x256xf32>
    %dot_general3A_106 = tpu.matmul %get3A_1, %mul3A_104, %dot_general3A_105 {dimension_numbers = #tpu.dot_dimension_numbers<[1], [0], [0], [1], [0, 0, 1, 1], [], []>, transpose_lhs_hint = false} : vector<256x64xf32>, vector<64x256xf32>, vector<256x256xf32> -> vector<256x256xf32>
    %get3A_107 = arith.constant 3 : index
    %get3A_108 = arith.constant 0 : index
    %get3A_109 = arith.constant 0 : index
    %get3A_110 = vector.load %arg1[%get3A_107, %get3A_108, %get3A_109] : memref<16x64x256xf32, #tpu.memory_space<vmem>>, vector<1x64x256xf32>
    %get3A_111 = vector.shape_cast %get3A_110 : vector<1x64x256xf32> to vector<64x256xf32>
    %dot_general3A_112 = arith.constant dense<0.000000e+00> : vector<256x256xf32>
    %dot_general3A_113 = tpu.matmul %get3A_4, %get3A_111, %dot_general3A_112 {dimension_numbers = #tpu.dot_dimension_numbers<[1], [0], [0], [1], [0, 0, 1, 1], [], []>, transpose_lhs_hint = false} : vector<256x64xf32>, vector<64x256xf32>, vector<256x256xf32> -> vector<256x256xf32>
    %add3A_114 = arith.addf %dot_general3A_106, %dot_general3A_113 : vector<256x256xf32>
    %add3A_115 = vector.broadcast %get3A_7 : vector<256x1xf32> to vector<256x256xf32>
    %add3A_116 = arith.addf %add3A_114, %add3A_115 : vector<256x256xf32>
    %swap3A_117 = arith.constant 3 : index
    %swap3A_118 = arith.constant 0 : index
    %swap3A_119 = arith.constant 0 : index
    %swap3A_120 = vector.load %arg4[%swap3A_117, %swap3A_118, %swap3A_119] : memref<16x256x256xf32, #tpu.memory_space<vmem>>, vector<1x256x256xf32>
    %swap3A_121 = vector.shape_cast %swap3A_120 : vector<1x256x256xf32> to vector<256x256xf32>
    %swap3A_122 = vector.shape_cast %add3A_116 : vector<256x256xf32> to vector<1x256x256xf32>
    tpu.vector_store %arg4[%swap3A_117, %swap3A_118, %swap3A_119], %swap3A_122 {strides = array<i32>} : memref<16x256x256xf32, #tpu.memory_space<vmem>>, vector<1x256x256xf32>,
    %get3A_123 = arith.constant 4 : index
    %get3A_124 = arith.constant 0 : index
    %get3A_125 = arith.constant 0 : index
    %get3A_126 = vector.load %arg0[%get3A_123, %get3A_124, %get3A_125] : memref<16x64x256xf32, #tpu.memory_space<vmem>>, vector<1x64x256xf32>
    %get3A_127 = vector.shape_cast %get3A_126 : vector<1x64x256xf32> to vector<64x256xf32>
    %logistic3A_128 = arith.negf %get3A_127 : vector<64x256xf32>
    %logistic3A_129 = math.exp %logistic3A_128 : vector<64x256xf32>
    %logistic3A_130 = arith.constant 1.000000e+00 : f32
    %logistic3A_131 = vector.broadcast %logistic3A_130 : f32 to vector<64x256xf32>
    %logistic3A_132 = arith.addf %logistic3A_131, %logistic3A_129 : vector<64x256xf32>
    %logistic3A_133 = arith.divf %logistic3A_131, %logistic3A_132 : vector<64x256xf32>
    %mul3A_134 = arith.mulf %get3A_127, %logistic3A_133 : vector<64x256xf32>
    %dot_general3A_135 = arith.constant dense<0.000000e+00> : vector<256x256xf32>
    %dot_general3A_136 = tpu.matmul %get3A_1, %mul3A_134, %dot_general3A_135 {dimension_numbers = #tpu.dot_dimension_numbers<[1], [0], [0], [1], [0, 0, 1, 1], [], []>, transpose_lhs_hint = false} : vector<256x64xf32>, vector<64x256xf32>, vector<256x256xf32> -> vector<256x256xf32>
    %get3A_137 = arith.constant 4 : index
    %get3A_138 = arith.constant 0 : index
    %get3A_139 = arith.constant 0 : index
    %get3A_140 = vector.load %arg1[%get3A_137, %get3A_138, %get3A_139] : memref<16x64x256xf32, #tpu.memory_space<vmem>>, vector<1x64x256xf32>
    %get3A_141 = vector.shape_cast %get3A_140 : vector<1x64x256xf32> to vector<64x256xf32>
    %dot_general3A_142 = arith.constant dense<0.000000e+00> : vector<256x256xf32>
    %dot_general3A_143 = tpu.matmul %get3A_4, %get3A_141, %dot_general3A_142 {dimension_numbers = #tpu.dot_dimension_numbers<[1], [0], [0], [1], [0, 0, 1, 1], [], []>, transpose_lhs_hint = false} : vector<256x64xf32>, vector<64x256xf32>, vector<256x256xf32> -> vector<256x256xf32>
    %add3A_144 = arith.addf %dot_general3A_136, %dot_general3A_143 : vector<256x256xf32>
    %add3A_145 = vector.broadcast %get3A_7 : vector<256x1xf32> to vector<256x256xf32>
    %add3A_146 = arith.addf %add3A_144, %add3A_145 : vector<256x256xf32>
    %swap3A_147 = arith.constant 4 : index
    %swap3A_148 = arith.constant 0 : index
    %swap3A_149 = arith.constant 0 : index
    %swap3A_150 = vector.load %arg4[%swap3A_147, %swap3A_148, %swap3A_149] : memref<16x256x256xf32, #tpu.memory_space<vmem>>, vector<1x256x256xf32>
    %swap3A_151 = vector.shape_cast %swap3A_150 : vector<1x256x256xf32> to vector<256x256xf32>
    %swap3A_152 = vector.shape_cast %add3A_146 : vector<256x256xf32> to vector<1x256x256xf32>
    tpu.vector_store %arg4[%swap3A_147, %swap3A_148, %swap3A_149], %swap3A_152 {strides = array<i32>} : memref<16x256x256xf32, #tpu.memory_space<vmem>>, vector<1x256x256xf32>,
    %get3A_153 = arith.constant 5 : index
    %get3A_154 = arith.constant 0 : index
    %get3A_155 = arith.constant 0 : index
    %get3A_156 = vector.load %arg0[%get3A_153, %get3A_154, %get3A_155] : memref<16x64x256xf32, #tpu.memory_space<vmem>>, vector<1x64x256xf32>
    %get3A_157 = vector.shape_cast %get3A_156 : vector<1x64x256xf32> to vector<64x256xf32>
    %logistic3A_158 = arith.negf %get3A_157 : vector<64x256xf32>
    %logistic3A_159 = math.exp %logistic3A_158 : vector<64x256xf32>
    %logistic3A_160 = arith.constant 1.000000e+00 : f32
    %logistic3A_161 = vector.broadcast %logistic3A_160 : f32 to vector<64x256xf32>
    %logistic3A_162 = arith.addf %logistic3A_161, %logistic3A_159 : vector<64x256xf32>
    %logistic3A_163 = arith.divf %logistic3A_161, %logistic3A_162 : vector<64x256xf32>
    %mul3A_164 = arith.mulf %get3A_157, %logistic3A_163 : vector<64x256xf32>
    %dot_general3A_165 = arith.constant dense<0.000000e+00> : vector<256x256xf32>
    %dot_general3A_166 = tpu.matmul %get3A_1, %mul3A_164, %dot_general3A_165 {dimension_numbers = #tpu.dot_dimension_numbers<[1], [0], [0], [1], [0, 0, 1, 1], [], []>, transpose_lhs_hint = false} : vector<256x64xf32>, vector<64x256xf32>, vector<256x256xf32> -> vector<256x256xf32>
    %get3A_167 = arith.constant 5 : index
    %get3A_168 = arith.constant 0 : index
    %get3A_169 = arith.constant 0 : index
    %get3A_170 = vector.load %arg1[%get3A_167, %get3A_168, %get3A_169] : memref<16x64x256xf32, #tpu.memory_space<vmem>>, vector<1x64x256xf32>
    %get3A_171 = vector.shape_cast %get3A_170 : vector<1x64x256xf32> to vector<64x256xf32>
    %dot_general3A_172 = arith.constant dense<0.000000e+00> : vector<256x256xf32>
    %dot_general3A_173 = tpu.matmul %get3A_4, %get3A_171, %dot_general3A_172 {dimension_numbers = #tpu.dot_dimension_numbers<[1], [0], [0], [1], [0, 0, 1, 1], [], []>, transpose_lhs_hint = false} : vector<256x64xf32>, vector<64x256xf32>, vector<256x256xf32> -> vector<256x256xf32>
    %add3A_174 = arith.addf %dot_general3A_166, %dot_general3A_173 : vector<256x256xf32>
    %add3A_175 = vector.broadcast %get3A_7 : vector<256x1xf32> to vector<256x256xf32>
    %add3A_176 = arith.addf %add3A_174, %add3A_175 : vector<256x256xf32>
    %swap3A_177 = arith.constant 5 : index
    %swap3A_178 = arith.constant 0 : index
    %swap3A_179 = arith.constant 0 : index
    %swap3A_180 = vector.load %arg4[%swap3A_177, %swap3A_178, %swap3A_179] : memref<16x256x256xf32, #tpu.memory_space<vmem>>, vector<1x256x256xf32>
    %swap3A_181 = vector.shape_cast %swap3A_180 : vector<1x256x256xf32> to vector<256x256xf32>
    %swap3A_182 = vector.shape_cast %add3A_176 : vector<256x256xf32> to vector<1x256x256xf32>
    tpu.vector_store %arg4[%swap3A_177, %swap3A_178, %swap3A_179], %swap3A_182 {strides = array<i32>} : memref<16x256x256xf32, #tpu.memory_space<vmem>>, vector<1x256x256xf32>,
    %get3A_183 = arith.constant 6 : index
    %get3A_184 = arith.constant 0 : index
    %get3A_185 = arith.constant 0 : index
    %get3A_186 = vector.load %arg0[%get3A_183, %get3A_184, %get3A_185] : memref<16x64x256xf32, #tpu.memory_space<vmem>>, vector<1x64x256xf32>
    %get3A_187 = vector.shape_cast %get3A_186 : vector<1x64x256xf32> to vector<64x256xf32>
    %logistic3A_188 = arith.negf %get3A_187 : vector<64x256xf32>
    %logistic3A_189 = math.exp %logistic3A_188 : vector<64x256xf32>
    %logistic3A_190 = arith.constant 1.000000e+00 : f32
    %logistic3A_191 = vector.broadcast %logistic3A_190 : f32 to vector<64x256xf32>
    %logistic3A_192 = arith.addf %logistic3A_191, %logistic3A_189 : vector<64x256xf32>
    %logistic3A_193 = arith.divf %logistic3A_191, %logistic3A_192 : vector<64x256xf32>
    %mul3A_194 = arith.mulf %get3A_187, %logistic3A_193 : vector<64x256xf32>
    %dot_general3A_195 = arith.constant dense<0.000000e+00> : vector<256x256xf32>
    %dot_general3A_196 = tpu.matmul %get3A_1, %mul3A_194, %dot_general3A_195 {dimension_numbers = #tpu.dot_dimension_numbers<[1], [0], [0], [1], [0, 0, 1, 1], [], []>, transpose_lhs_hint = false} : vector<256x64xf32>, vector<64x256xf32>, vector<256x256xf32> -> vector<256x256xf32>
    %get3A_197 = arith.constant 6 : index
    %get3A_198 = arith.constant 0 : index
    %get3A_199 = arith.constant 0 : index
    %get3A_200 = vector.load %arg1[%get3A_197, %get3A_198, %get3A_199] : memref<16x64x256xf32, #tpu.memory_space<vmem>>, vector<1x64x256xf32>
    %get3A_201 = vector.shape_cast %get3A_200 : vector<1x64x256xf32> to vector<64x256xf32>
    %dot_general3A_202 = arith.constant dense<0.000000e+00> : vector<256x256xf32>
    %dot_general3A_203 = tpu.matmul %get3A_4, %get3A_201, %dot_general3A_202 {dimension_numbers = #tpu.dot_dimension_numbers<[1], [0], [0], [1], [0, 0, 1, 1], [], []>, transpose_lhs_hint = false} : vector<256x64xf32>, vector<64x256xf32>, vector<256x256xf32> -> vector<256x256xf32>
    %add3A_204 = arith.addf %dot_general3A_196, %dot_general3A_203 : vector<256x256xf32>
    %add3A_205 = vector.broadcast %get3A_7 : vector<256x1xf32> to vector<256x256xf32>
    %add3A_206 = arith.addf %add3A_204, %add3A_205 : vector<256x256xf32>
    %swap3A_207 = arith.constant 6 : index
    %swap3A_208 = arith.constant 0 : index
    %swap3A_209 = arith.constant 0 : index
    %swap3A_210 = vector.load %arg4[%swap3A_207, %swap3A_208, %swap3A_209] : memref<16x256x256xf32, #tpu.memory_space<vmem>>, vector<1x256x256xf32>
    %swap3A_211 = vector.shape_cast %swap3A_210 : vector<1x256x256xf32> to vector<256x256xf32>
    %swap3A_212 = vector.shape_cast %add3A_206 : vector<256x256xf32> to vector<1x256x256xf32>
    tpu.vector_store %arg4[%swap3A_207, %swap3A_208, %swap3A_209], %swap3A_212 {strides = array<i32>} : memref<16x256x256xf32, #tpu.memory_space<vmem>>, vector<1x256x256xf32>,
    %get3A_213 = arith.constant 7 : index
    %get3A_214 = arith.constant 0 : index
    %get3A_215 = arith.constant 0 : index
    %get3A_216 = vector.load %arg0[%get3A_213, %get3A_214, %get3A_215] : memref<16x64x256xf32, #tpu.memory_space<vmem>>, vector<1x64x256xf32>
    %get3A_217 = vector.shape_cast %get3A_216 : vector<1x64x256xf32> to vector<64x256xf32>
    %logistic3A_218 = arith.negf %get3A_217 : vector<64x256xf32>
    %logistic3A_219 = math.exp %logistic3A_218 : vector<64x256xf32>
    %logistic3A_220 = arith.constant 1.000000e+00 : f32
    %logistic3A_221 = vector.broadcast %logistic3A_220 : f32 to vector<64x256xf32>
    %logistic3A_222 = arith.addf %logistic3A_221, %logistic3A_219 : vector<64x256xf32>
    %logistic3A_223 = arith.divf %logistic3A_221, %logistic3A_222 : vector<64x256xf32>
    %mul3A_224 = arith.mulf %get3A_217, %logistic3A_223 : vector<64x256xf32>
    %dot_general3A_225 = arith.constant dense<0.000000e+00> : vector<256x256xf32>
    %dot_general3A_226 = tpu.matmul %get3A_1, %mul3A_224, %dot_general3A_225 {dimension_numbers = #tpu.dot_dimension_numbers<[1], [0], [0], [1], [0, 0, 1, 1], [], []>, transpose_lhs_hint = false} : vector<256x64xf32>, vector<64x256xf32>, vector<256x256xf32> -> vector<256x256xf32>
    %get3A_227 = arith.constant 7 : index
    %get3A_228 = arith.constant 0 : index
    %get3A_229 = arith.constant 0 : index
    %get3A_230 = vector.load %arg1[%get3A_227, %get3A_228, %get3A_229] : memref<16x64x256xf32, #tpu.memory_space<vmem>>, vector<1x64x256xf32>
    %get3A_231 = vector.shape_cast %get3A_230 : vector<1x64x256xf32> to vector<64x256xf32>
    %dot_general3A_232 = arith.constant dense<0.000000e+00> : vector<256x256xf32>
    %dot_general3A_233 = tpu.matmul %get3A_4, %get3A_231, %dot_general3A_232 {dimension_numbers = #tpu.dot_dimension_numbers<[1], [0], [0], [1], [0, 0, 1, 1], [], []>, transpose_lhs_hint = false} : vector<256x64xf32>, vector<64x256xf32>, vector<256x256xf32> -> vector<256x256xf32>
    %add3A_234 = arith.addf %dot_general3A_226, %dot_general3A_233 : vector<256x256xf32>
    %add3A_235 = vector.broadcast %get3A_7 : vector<256x1xf32> to vector<256x256xf32>
    %add3A_236 = arith.addf %add3A_234, %add3A_235 : vector<256x256xf32>
    %swap3A_237 = arith.constant 7 : index
    %swap3A_238 = arith.constant 0 : index
    %swap3A_239 = arith.constant 0 : index
    %swap3A_240 = vector.load %arg4[%swap3A_237, %swap3A_238, %swap3A_239] : memref<16x256x256xf32, #tpu.memory_space<vmem>>, vector<1x256x256xf32>
    %swap3A_241 = vector.shape_cast %swap3A_240 : vector<1x256x256xf32> to vector<256x256xf32>
    %swap3A_242 = vector.shape_cast %add3A_236 : vector<256x256xf32> to vector<1x256x256xf32>
    tpu.vector_store %arg4[%swap3A_237, %swap3A_238, %swap3A_239], %swap3A_242 {strides = array<i32>} : memref<16x256x256xf32, #tpu.memory_space<vmem>>, vector<1x256x256xf32>,
    %get3A_243 = arith.constant 8 : index
    %get3A_244 = arith.constant 0 : index
    %get3A_245 = arith.constant 0 : index
    %get3A_246 = vector.load %arg0[%get3A_243, %get3A_244, %get3A_245] : memref<16x64x256xf32, #tpu.memory_space<vmem>>, vector<1x64x256xf32>
    %get3A_247 = vector.shape_cast %get3A_246 : vector<1x64x256xf32> to vector<64x256xf32>
    %logistic3A_248 = arith.negf %get3A_247 : vector<64x256xf32>
    %logistic3A_249 = math.exp %logistic3A_248 : vector<64x256xf32>
    %logistic3A_250 = arith.constant 1.000000e+00 : f32
    %logistic3A_251 = vector.broadcast %logistic3A_250 : f32 to vector<64x256xf32>
    %logistic3A_252 = arith.addf %logistic3A_251, %logistic3A_249 : vector<64x256xf32>
    %logistic3A_253 = arith.divf %logistic3A_251, %logistic3A_252 : vector<64x256xf32>
    %mul3A_254 = arith.mulf %get3A_247, %logistic3A_253 : vector<64x256xf32>
    %dot_general3A_255 = arith.constant dense<0.000000e+00> : vector<256x256xf32>
    %dot_general3A_256 = tpu.matmul %get3A_1, %mul3A_254, %dot_general3A_255 {dimension_numbers = #tpu.dot_dimension_numbers<[1], [0], [0], [1], [0, 0, 1, 1], [], []>, transpose_lhs_hint = false} : vector<256x64xf32>, vector<64x256xf32>, vector<256x256xf32> -> vector<256x256xf32>
    %get3A_257 = arith.constant 8 : index
    %get3A_258 = arith.constant 0 : index
    %get3A_259 = arith.constant 0 : index
    %get3A_260 = vector.load %arg1[%get3A_257, %get3A_258, %get3A_259] : memref<16x64x256xf32, #tpu.memory_space<vmem>>, vector<1x64x256xf32>
    %get3A_261 = vector.shape_cast %get3A_260 : vector<1x64x256xf32> to vector<64x256xf32>
    %dot_general3A_262 = arith.constant dense<0.000000e+00> : vector<256x256xf32>
    %dot_general3A_263 = tpu.matmul %get3A_4, %get3A_261, %dot_general3A_262 {dimension_numbers = #tpu.dot_dimension_numbers<[1], [0], [0], [1], [0, 0, 1, 1], [], []>, transpose_lhs_hint = false} : vector<256x64xf32>, vector<64x256xf32>, vector<256x256xf32> -> vector<256x256xf32>
    %add3A_264 = arith.addf %dot_general3A_256, %dot_general3A_263 : vector<256x256xf32>
    %add3A_265 = vector.broadcast %get3A_7 : vector<256x1xf32> to vector<256x256xf32>
    %add3A_266 = arith.addf %add3A_264, %add3A_265 : vector<256x256xf32>
    %swap3A_267 = arith.constant 8 : index
    %swap3A_268 = arith.constant 0 : index
    %swap3A_269 = arith.constant 0 : index
    %swap3A_270 = vector.load %arg4[%swap3A_267, %swap3A_268, %swap3A_269] : memref<16x256x256xf32, #tpu.memory_space<vmem>>, vector<1x256x256xf32>
    %swap3A_271 = vector.shape_cast %swap3A_270 : vector<1x256x256xf32> to vector<256x256xf32>
    %swap3A_272 = vector.shape_cast %add3A_266 : vector<256x256xf32> to vector<1x256x256xf32>
    tpu.vector_store %arg4[%swap3A_267, %swap3A_268, %swap3A_269], %swap3A_272 {strides = array<i32>} : memref<16x256x256xf32, #tpu.memory_space<vmem>>, vector<1x256x256xf32>,
    %get3A_273 = arith.constant 9 : index
    %get3A_274 = arith.constant 0 : index
    %get3A_275 = arith.constant 0 : index
    %get3A_276 = vector.load %arg0[%get3A_273, %get3A_274, %get3A_275] : memref<16x64x256xf32, #tpu.memory_space<vmem>>, vector<1x64x256xf32>
    %get3A_277 = vector.shape_cast %get3A_276 : vector<1x64x256xf32> to vector<64x256xf32>
    %logistic3A_278 = arith.negf %get3A_277 : vector<64x256xf32>
    %logistic3A_279 = math.exp %logistic3A_278 : vector<64x256xf32>
    %logistic3A_280 = arith.constant 1.000000e+00 : f32
    %logistic3A_281 = vector.broadcast %logistic3A_280 : f32 to vector<64x256xf32>
    %logistic3A_282 = arith.addf %logistic3A_281, %logistic3A_279 : vector<64x256xf32>
    %logistic3A_283 = arith.divf %logistic3A_281, %logistic3A_282 : vector<64x256xf32>
    %mul3A_284 = arith.mulf %get3A_277, %logistic3A_283 : vector<64x256xf32>
    %dot_general3A_285 = arith.constant dense<0.000000e+00> : vector<256x256xf32>
    %dot_general3A_286 = tpu.matmul %get3A_1, %mul3A_284, %dot_general3A_285 {dimension_numbers = #tpu.dot_dimension_numbers<[1], [0], [0], [1], [0, 0, 1, 1], [], []>, transpose_lhs_hint = false} : vector<256x64xf32>, vector<64x256xf32>, vector<256x256xf32> -> vector<256x256xf32>
    %get3A_287 = arith.constant 9 : index
    %get3A_288 = arith.constant 0 : index
    %get3A_289 = arith.constant 0 : index
    %get3A_290 = vector.load %arg1[%get3A_287, %get3A_288, %get3A_289] : memref<16x64x256xf32, #tpu.memory_space<vmem>>, vector<1x64x256xf32>
    %get3A_291 = vector.shape_cast %get3A_290 : vector<1x64x256xf32> to vector<64x256xf32>
    %dot_general3A_292 = arith.constant dense<0.000000e+00> : vector<256x256xf32>
    %dot_general3A_293 = tpu.matmul %get3A_4, %get3A_291, %dot_general3A_292 {dimension_numbers = #tpu.dot_dimension_numbers<[1], [0], [0], [1], [0, 0, 1, 1], [], []>, transpose_lhs_hint = false} : vector<256x64xf32>, vector<64x256xf32>, vector<256x256xf32> -> vector<256x256xf32>
    %add3A_294 = arith.addf %dot_general3A_286, %dot_general3A_293 : vector<256x256xf32>
    %add3A_295 = vector.broadcast %get3A_7 : vector<256x1xf32> to vector<256x256xf32>
    %add3A_296 = arith.addf %add3A_294, %add3A_295 : vector<256x256xf32>
    %swap3A_297 = arith.constant 9 : index
    %swap3A_298 = arith.constant 0 : index
    %swap3A_299 = arith.constant 0 : index
    %swap3A_300 = vector.load %arg4[%swap3A_297, %swap3A_298, %swap3A_299] : memref<16x256x256xf32, #tpu.memory_space<vmem>>, vector<1x256x256xf32>
    %swap3A_301 = vector.shape_cast %swap3A_300 : vector<1x256x256xf32> to vector<256x256xf32>
    %swap3A_302 = vector.shape_cast %add3A_296 : vector<256x256xf32> to vector<1x256x256xf32>
    tpu.vector_store %arg4[%swap3A_297, %swap3A_298, %swap3A_299], %swap3A_302 {strides = array<i32>} : memref<16x256x256xf32, #tpu.memory_space<vmem>>, vector<1x256x256xf32>,
    %get3A_303 = arith.constant 10 : index
    %get3A_304 = arith.constant 0 : index
    %get3A_305 = arith.constant 0 : index
    %get3A_306 = vector.load %arg0[%get3A_303, %get3A_304, %get3A_305] : memref<16x64x256xf32, #tpu.memory_space<vmem>>, vector<1x64x256xf32>
    %get3A_307 = vector.shape_cast %get3A_306 : vector<1x64x256xf32> to vector<64x256xf32>
    %logistic3A_308 = arith.negf %get3A_307 : vector<64x256xf32>
    %logistic3A_309 = math.exp %logistic3A_308 : vector<64x256xf32>
    %logistic3A_310 = arith.constant 1.000000e+00 : f32
    %logistic3A_311 = vector.broadcast %logistic3A_310 : f32 to vector<64x256xf32>
    %logistic3A_312 = arith.addf %logistic3A_311, %logistic3A_309 : vector<64x256xf32>
    %logistic3A_313 = arith.divf %logistic3A_311, %logistic3A_312 : vector<64x256xf32>
    %mul3A_314 = arith.mulf %get3A_307, %logistic3A_313 : vector<64x256xf32>
    %dot_general3A_315 = arith.constant dense<0.000000e+00> : vector<256x256xf32>
    %dot_general3A_316 = tpu.matmul %get3A_1, %mul3A_314, %dot_general3A_315 {dimension_numbers = #tpu.dot_dimension_numbers<[1], [0], [0], [1], [0, 0, 1, 1], [], []>, transpose_lhs_hint = false} : vector<256x64xf32>, vector<64x256xf32>, vector<256x256xf32> -> vector<256x256xf32>
    %get3A_317 = arith.constant 10 : index
    %get3A_318 = arith.constant 0 : index
    %get3A_319 = arith.constant 0 : index
    %get3A_320 = vector.load %arg1[%get3A_317, %get3A_318, %get3A_319] : memref<16x64x256xf32, #tpu.memory_space<vmem>>, vector<1x64x256xf32>
    %get3A_321 = vector.shape_cast %get3A_320 : vector<1x64x256xf32> to vector<64x256xf32>
    %dot_general3A_322 = arith.constant dense<0.000000e+00> : vector<256x256xf32>
    %dot_general3A_323 = tpu.matmul %get3A_4, %get3A_321, %dot_general3A_322 {dimension_numbers = #tpu.dot_dimension_numbers<[1], [0], [0], [1], [0, 0, 1, 1], [], []>, transpose_lhs_hint = false} : vector<256x64xf32>, vector<64x256xf32>, vector<256x256xf32> -> vector<256x256xf32>
    %add3A_324 = arith.addf %dot_general3A_316, %dot_general3A_323 : vector<256x256xf32>
    %add3A_325 = vector.broadcast %get3A_7 : vector<256x1xf32> to vector<256x256xf32>
    %add3A_326 = arith.addf %add3A_324, %add3A_325 : vector<256x256xf32>
    %swap3A_327 = arith.constant 10 : index
    %swap3A_328 = arith.constant 0 : index
    %swap3A_329 = arith.constant 0 : index
    %swap3A_330 = vector.load %arg4[%swap3A_327, %swap3A_328, %swap3A_329] : memref<16x256x256xf32, #tpu.memory_space<vmem>>, vector<1x256x256xf32>
    %swap3A_331 = vector.shape_cast %swap3A_330 : vector<1x256x256xf32> to vector<256x256xf32>
    %swap3A_332 = vector.shape_cast %add3A_326 : vector<256x256xf32> to vector<1x256x256xf32>
    tpu.vector_store %arg4[%swap3A_327, %swap3A_328, %swap3A_329], %swap3A_332 {strides = array<i32>} : memref<16x256x256xf32, #tpu.memory_space<vmem>>, vector<1x256x256xf32>,
    %get3A_333 = arith.constant 11 : index
    %get3A_334 = arith.constant 0 : index
    %get3A_335 = arith.constant 0 : index
    %get3A_336 = vector.load %arg0[%get3A_333, %get3A_334, %get3A_335] : memref<16x64x256xf32, #tpu.memory_space<vmem>>, vector<1x64x256xf32>
    %get3A_337 = vector.shape_cast %get3A_336 : vector<1x64x256xf32> to vector<64x256xf32>
    %logistic3A_338 = arith.negf %get3A_337 : vector<64x256xf32>
    %logistic3A_339 = math.exp %logistic3A_338 : vector<64x256xf32>
    %logistic3A_340 = arith.constant 1.000000e+00 : f32
    %logistic3A_341 = vector.broadcast %logistic3A_340 : f32 to vector<64x256xf32>
    %logistic3A_342 = arith.addf %logistic3A_341, %logistic3A_339 : vector<64x256xf32>
    %logistic3A_343 = arith.divf %logistic3A_341, %logistic3A_342 : vector<64x256xf32>
    %mul3A_344 = arith.mulf %get3A_337, %logistic3A_343 : vector<64x256xf32>
    %dot_general3A_345 = arith.constant dense<0.000000e+00> : vector<256x256xf32>
    %dot_general3A_346 = tpu.matmul %get3A_1, %mul3A_344, %dot_general3A_345 {dimension_numbers = #tpu.dot_dimension_numbers<[1], [0], [0], [1], [0, 0, 1, 1], [], []>, transpose_lhs_hint = false} : vector<256x64xf32>, vector<64x256xf32>, vector<256x256xf32> -> vector<256x256xf32>
    %get3A_347 = arith.constant 11 : index
    %get3A_348 = arith.constant 0 : index
    %get3A_349 = arith.constant 0 : index
    %get3A_350 = vector.load %arg1[%get3A_347, %get3A_348, %get3A_349] : memref<16x64x256xf32, #tpu.memory_space<vmem>>, vector<1x64x256xf32>
    %get3A_351 = vector.shape_cast %get3A_350 : vector<1x64x256xf32> to vector<64x256xf32>
    %dot_general3A_352 = arith.constant dense<0.000000e+00> : vector<256x256xf32>
    %dot_general3A_353 = tpu.matmul %get3A_4, %get3A_351, %dot_general3A_352 {dimension_numbers = #tpu.dot_dimension_numbers<[1], [0], [0], [1], [0, 0, 1, 1], [], []>, transpose_lhs_hint = false} : vector<256x64xf32>, vector<64x256xf32>, vector<256x256xf32> -> vector<256x256xf32>
    %add3A_354 = arith.addf %dot_general3A_346, %dot_general3A_353 : vector<256x256xf32>
    %add3A_355 = vector.broadcast %get3A_7 : vector<256x1xf32> to vector<256x256xf32>
    %add3A_356 = arith.addf %add3A_354, %add3A_355 : vector<256x256xf32>
    %swap3A_357 = arith.constant 11 : index
    %swap3A_358 = arith.constant 0 : index
    %swap3A_359 = arith.constant 0 : index
    %swap3A_360 = vector.load %arg4[%swap3A_357, %swap3A_358, %swap3A_359] : memref<16x256x256xf32, #tpu.memory_space<vmem>>, vector<1x256x256xf32>
    %swap3A_361 = vector.shape_cast %swap3A_360 : vector<1x256x256xf32> to vector<256x256xf32>
    %swap3A_362 = vector.shape_cast %add3A_356 : vector<256x256xf32> to vector<1x256x256xf32>
    tpu.vector_store %arg4[%swap3A_357, %swap3A_358, %swap3A_359], %swap3A_362 {strides = array<i32>} : memref<16x256x256xf32, #tpu.memory_space<vmem>>, vector<1x256x256xf32>,
    %get3A_363 = arith.constant 12 : index
    %get3A_364 = arith.constant 0 : index
    %get3A_365 = arith.constant 0 : index
    %get3A_366 = vector.load %arg0[%get3A_363, %get3A_364, %get3A_365] : memref<16x64x256xf32, #tpu.memory_space<vmem>>, vector<1x64x256xf32>
    %get3A_367 = vector.shape_cast %get3A_366 : vector<1x64x256xf32> to vector<64x256xf32>
    %logistic3A_368 = arith.negf %get3A_367 : vector<64x256xf32>
    %logistic3A_369 = math.exp %logistic3A_368 : vector<64x256xf32>
    %logistic3A_370 = arith.constant 1.000000e+00 : f32
    %logistic3A_371 = vector.broadcast %logistic3A_370 : f32 to vector<64x256xf32>
    %logistic3A_372 = arith.addf %logistic3A_371, %logistic3A_369 : vector<64x256xf32>
    %logistic3A_373 = arith.divf %logistic3A_371, %logistic3A_372 : vector<64x256xf32>
    %mul3A_374 = arith.mulf %get3A_367, %logistic3A_373 : vector<64x256xf32>
    %dot_general3A_375 = arith.constant dense<0.000000e+00> : vector<256x256xf32>
    %dot_general3A_376 = tpu.matmul %get3A_1, %mul3A_374, %dot_general3A_375 {dimension_numbers = #tpu.dot_dimension_numbers<[1], [0], [0], [1], [0, 0, 1, 1], [], []>, transpose_lhs_hint = false} : vector<256x64xf32>, vector<64x256xf32>, vector<256x256xf32> -> vector<256x256xf32>
    %get3A_377 = arith.constant 12 : index
    %get3A_378 = arith.constant 0 : index
    %get3A_379 = arith.constant 0 : index
    %get3A_380 = vector.load %arg1[%get3A_377, %get3A_378, %get3A_379] : memref<16x64x256xf32, #tpu.memory_space<vmem>>, vector<1x64x256xf32>
    %get3A_381 = vector.shape_cast %get3A_380 : vector<1x64x256xf32> to vector<64x256xf32>
    %dot_general3A_382 = arith.constant dense<0.000000e+00> : vector<256x256xf32>
    %dot_general3A_383 = tpu.matmul %get3A_4, %get3A_381, %dot_general3A_382 {dimension_numbers = #tpu.dot_dimension_numbers<[1], [0], [0], [1], [0, 0, 1, 1], [], []>, transpose_lhs_hint = false} : vector<256x64xf32>, vector<64x256xf32>, vector<256x256xf32> -> vector<256x256xf32>
    %add3A_384 = arith.addf %dot_general3A_376, %dot_general3A_383 : vector<256x256xf32>
    %add3A_385 = vector.broadcast %get3A_7 : vector<256x1xf32> to vector<256x256xf32>
    %add3A_386 = arith.addf %add3A_384, %add3A_385 : vector<256x256xf32>
    %swap3A_387 = arith.constant 12 : index
    %swap3A_388 = arith.constant 0 : index
    %swap3A_389 = arith.constant 0 : index
    %swap3A_390 = vector.load %arg4[%swap3A_387, %swap3A_388, %swap3A_389] : memref<16x256x256xf32, #tpu.memory_space<vmem>>, vector<1x256x256xf32>
    %swap3A_391 = vector.shape_cast %swap3A_390 : vector<1x256x256xf32> to vector<256x256xf32>
    %swap3A_392 = vector.shape_cast %add3A_386 : vector<256x256xf32> to vector<1x256x256xf32>
    tpu.vector_store %arg4[%swap3A_387, %swap3A_388, %swap3A_389], %swap3A_392 {strides = array<i32>} : memref<16x256x256xf32, #tpu.memory_space<vmem>>, vector<1x256x256xf32>,
    %get3A_393 = arith.constant 13 : index
    %get3A_394 = arith.constant 0 : index
    %get3A_395 = arith.constant 0 : index
    %get3A_396 = vector.load %arg0[%get3A_393, %get3A_394, %get3A_395] : memref<16x64x256xf32, #tpu.memory_space<vmem>>, vector<1x64x256xf32>
    %get3A_397 = vector.shape_cast %get3A_396 : vector<1x64x256xf32> to vector<64x256xf32>
    %logistic3A_398 = arith.negf %get3A_397 : vector<64x256xf32>
    %logistic3A_399 = math.exp %logistic3A_398 : vector<64x256xf32>
    %logistic3A_400 = arith.constant 1.000000e+00 : f32
    %logistic3A_401 = vector.broadcast %logistic3A_400 : f32 to vector<64x256xf32>
    %logistic3A_402 = arith.addf %logistic3A_401, %logistic3A_399 : vector<64x256xf32>
    %logistic3A_403 = arith.divf %logistic3A_401, %logistic3A_402 : vector<64x256xf32>
    %mul3A_404 = arith.mulf %get3A_397, %logistic3A_403 : vector<64x256xf32>
    %dot_general3A_405 = arith.constant dense<0.000000e+00> : vector<256x256xf32>
    %dot_general3A_406 = tpu.matmul %get3A_1, %mul3A_404, %dot_general3A_405 {dimension_numbers = #tpu.dot_dimension_numbers<[1], [0], [0], [1], [0, 0, 1, 1], [], []>, transpose_lhs_hint = false} : vector<256x64xf32>, vector<64x256xf32>, vector<256x256xf32> -> vector<256x256xf32>
    %get3A_407 = arith.constant 13 : index
    %get3A_408 = arith.constant 0 : index
    %get3A_409 = arith.constant 0 : index
    %get3A_410 = vector.load %arg1[%get3A_407, %get3A_408, %get3A_409] : memref<16x64x256xf32, #tpu.memory_space<vmem>>, vector<1x64x256xf32>
    %get3A_411 = vector.shape_cast %get3A_410 : vector<1x64x256xf32> to vector<64x256xf32>
    %dot_general3A_412 = arith.constant dense<0.000000e+00> : vector<256x256xf32>
    %dot_general3A_413 = tpu.matmul %get3A_4, %get3A_411, %dot_general3A_412 {dimension_numbers = #tpu.dot_dimension_numbers<[1], [0], [0], [1], [0, 0, 1, 1], [], []>, transpose_lhs_hint = false} : vector<256x64xf32>, vector<64x256xf32>, vector<256x256xf32> -> vector<256x256xf32>
    %add3A_414 = arith.addf %dot_general3A_406, %dot_general3A_413 : vector<256x256xf32>
    %add3A_415 = vector.broadcast %get3A_7 : vector<256x1xf32> to vector<256x256xf32>
    %add3A_416 = arith.addf %add3A_414, %add3A_415 : vector<256x256xf32>
    %swap3A_417 = arith.constant 13 : index
    %swap3A_418 = arith.constant 0 : index
    %swap3A_419 = arith.constant 0 : index
    %swap3A_420 = vector.load %arg4[%swap3A_417, %swap3A_418, %swap3A_419] : memref<16x256x256xf32, #tpu.memory_space<vmem>>, vector<1x256x256xf32>
    %swap3A_421 = vector.shape_cast %swap3A_420 : vector<1x256x256xf32> to vector<256x256xf32>
    %swap3A_422 = vector.shape_cast %add3A_416 : vector<256x256xf32> to vector<1x256x256xf32>
    tpu.vector_store %arg4[%swap3A_417, %swap3A_418, %swap3A_419], %swap3A_422 {strides = array<i32>} : memref<16x256x256xf32, #tpu.memory_space<vmem>>, vector<1x256x256xf32>,
    %get3A_423 = arith.constant 14 : index
    %get3A_424 = arith.constant 0 : index
    %get3A_425 = arith.constant 0 : index
    %get3A_426 = vector.load %arg0[%get3A_423, %get3A_424, %get3A_425] : memref<16x64x256xf32, #tpu.memory_space<vmem>>, vector<1x64x256xf32>
    %get3A_427 = vector.shape_cast %get3A_426 : vector<1x64x256xf32> to vector<64x256xf32>
    %logistic3A_428 = arith.negf %get3A_427 : vector<64x256xf32>
    %logistic3A_429 = math.exp %logistic3A_428 : vector<64x256xf32>
    %logistic3A_430 = arith.constant 1.000000e+00 : f32
    %logistic3A_431 = vector.broadcast %logistic3A_430 : f32 to vector<64x256xf32>
    %logistic3A_432 = arith.addf %logistic3A_431, %logistic3A_429 : vector<64x256xf32>
    %logistic3A_433 = arith.divf %logistic3A_431, %logistic3A_432 : vector<64x256xf32>
    %mul3A_434 = arith.mulf %get3A_427, %logistic3A_433 : vector<64x256xf32>
    %dot_general3A_435 = arith.constant dense<0.000000e+00> : vector<256x256xf32>
    %dot_general3A_436 = tpu.matmul %get3A_1, %mul3A_434, %dot_general3A_435 {dimension_numbers = #tpu.dot_dimension_numbers<[1], [0], [0], [1], [0, 0, 1, 1], [], []>, transpose_lhs_hint = false} : vector<256x64xf32>, vector<64x256xf32>, vector<256x256xf32> -> vector<256x256xf32>
    %get3A_437 = arith.constant 14 : index
    %get3A_438 = arith.constant 0 : index
    %get3A_439 = arith.constant 0 : index
    %get3A_440 = vector.load %arg1[%get3A_437, %get3A_438, %get3A_439] : memref<16x64x256xf32, #tpu.memory_space<vmem>>, vector<1x64x256xf32>
    %get3A_441 = vector.shape_cast %get3A_440 : vector<1x64x256xf32> to vector<64x256xf32>
    %dot_general3A_442 = arith.constant dense<0.000000e+00> : vector<256x256xf32>
    %dot_general3A_443 = tpu.matmul %get3A_4, %get3A_441, %dot_general3A_442 {dimension_numbers = #tpu.dot_dimension_numbers<[1], [0], [0], [1], [0, 0, 1, 1], [], []>, transpose_lhs_hint = false} : vector<256x64xf32>, vector<64x256xf32>, vector<256x256xf32> -> vector<256x256xf32>
    %add3A_444 = arith.addf %dot_general3A_436, %dot_general3A_443 : vector<256x256xf32>
    %add3A_445 = vector.broadcast %get3A_7 : vector<256x1xf32> to vector<256x256xf32>
    %add3A_446 = arith.addf %add3A_444, %add3A_445 : vector<256x256xf32>
    %swap3A_447 = arith.constant 14 : index
    %swap3A_448 = arith.constant 0 : index
    %swap3A_449 = arith.constant 0 : index
    %swap3A_450 = vector.load %arg4[%swap3A_447, %swap3A_448, %swap3A_449] : memref<16x256x256xf32, #tpu.memory_space<vmem>>, vector<1x256x256xf32>
    %swap3A_451 = vector.shape_cast %swap3A_450 : vector<1x256x256xf32> to vector<256x256xf32>
    %swap3A_452 = vector.shape_cast %add3A_446 : vector<256x256xf32> to vector<1x256x256xf32>
    tpu.vector_store %arg4[%swap3A_447, %swap3A_448, %swap3A_449], %swap3A_452 {strides = array<i32>} : memref<16x256x256xf32, #tpu.memory_space<vmem>>, vector<1x256x256xf32>,
    %get3A_453 = arith.constant 15 : index
    %get3A_454 = arith.constant 0 : index
    %get3A_455 = arith.constant 0 : index
    %get3A_456 = vector.load %arg0[%get3A_453, %get3A_454, %get3A_455] : memref<16x64x256xf32, #tpu.memory_space<vmem>>, vector<1x64x256xf32>
    %get3A_457 = vector.shape_cast %get3A_456 : vector<1x64x256xf32> to vector<64x256xf32>
    %logistic3A_458 = arith.negf %get3A_457 : vector<64x256xf32>
    %logistic3A_459 = math.exp %logistic3A_458 : vector<64x256xf32>
    %logistic3A_460 = arith.constant 1.000000e+00 : f32
    %logistic3A_461 = vector.broadcast %logistic3A_460 : f32 to vector<64x256xf32>
    %logistic3A_462 = arith.addf %logistic3A_461, %logistic3A_459 : vector<64x256xf32>
    %logistic3A_463 = arith.divf %logistic3A_461, %logistic3A_462 : vector<64x256xf32>
    %mul3A_464 = arith.mulf %get3A_457, %logistic3A_463 : vector<64x256xf32>
    %dot_general3A_465 = arith.constant dense<0.000000e+00> : vector<256x256xf32>
    %dot_general3A_466 = tpu.matmul %get3A_1, %mul3A_464, %dot_general3A_465 {dimension_numbers = #tpu.dot_dimension_numbers<[1], [0], [0], [1], [0, 0, 1, 1], [], []>, transpose_lhs_hint = false} : vector<256x64xf32>, vector<64x256xf32>, vector<256x256xf32> -> vector<256x256xf32>
    %get3A_467 = arith.constant 15 : index
    %get3A_468 = arith.constant 0 : index
    %get3A_469 = arith.constant 0 : index
    %get3A_470 = vector.load %arg1[%get3A_467, %get3A_468, %get3A_469] : memref<16x64x256xf32, #tpu.memory_space<vmem>>, vector<1x64x256xf32>
    %get3A_471 = vector.shape_cast %get3A_470 : vector<1x64x256xf32> to vector<64x256xf32>
    %dot_general3A_472 = arith.constant dense<0.000000e+00> : vector<256x256xf32>
    %dot_general3A_473 = tpu.matmul %get3A_4, %get3A_471, %dot_general3A_472 {dimension_numbers = #tpu.dot_dimension_numbers<[1], [0], [0], [1], [0, 0, 1, 1], [], []>, transpose_lhs_hint = false} : vector<256x64xf32>, vector<64x256xf32>, vector<256x256xf32> -> vector<256x256xf32>
    %add3A_474 = arith.addf %dot_general3A_466, %dot_general3A_473 : vector<256x256xf32>
    %add3A_475 = vector.broadcast %get3A_7 : vector<256x1xf32> to vector<256x256xf32>
    %add3A_476 = arith.addf %add3A_474, %add3A_475 : vector<256x256xf32>
    %swap3A_477 = arith.constant 15 : index
    %swap3A_478 = arith.constant 0 : index
    %swap3A_479 = arith.constant 0 : index
    %swap3A_480 = vector.load %arg4[%swap3A_477, %swap3A_478, %swap3A_479] : memref<16x256x256xf32, #tpu.memory_space<vmem>>, vector<1x256x256xf32>
    %swap3A_481 = vector.shape_cast %swap3A_480 : vector<1x256x256xf32> to vector<256x256xf32>
    %swap3A_482 = vector.shape_cast %add3A_476 : vector<256x256xf32> to vector<1x256x256xf32>
    tpu.vector_store %arg4[%swap3A_477, %swap3A_478, %swap3A_479], %swap3A_482 {strides = array<i32>} : memref<16x256x256xf32, #tpu.memory_space<vmem>>, vector<1x256x256xf32>,
    return
  }
}

</mosaic_0001>

<sc_bundles>
// kernel: kernel.6.cloned.1.call-start
scs
__scs_entry_jumppad:
0x0: {  	(pc) =	sbr.rel $0x88, $3  }
0x1: {  	(tag) =	ssettag $0x0;
	lr =	simm.s32 $0x1  }
0x2: {  	[smem:$0x3F95] =	sst lr;
	_ =	strace $0xD0000000  }
0x3: {  	_ = 	snop  }
0x4: {  	_ = 	snop  }
0x5: {  	_ = 	snop  }
0x6: {  	_ = 	snop  }
0x7: {  	_ = 	snop  }
__scs_overlays_trampoline_lowered:
0x8: {  	[smem:$0x3FA4] =	sst s0  }
0x9: {  	[smem:$0x3FA5] =	sst s1  }
0xa: {  	[smem:$0x3FA6] =	sst s2  }
0xb: {  	[smem:$0x3FA7] =	sst s3  }
0xc: {  	[smem:$0x3FA8] =	sst s4  }
0xd: {  	[smem:$0x3FA9] =	sst s5  }
0xe: {  	[smem:$0x3FAA] =	sst s6  }
0xf: {  	[smem:$0x3FAB] =	sst s7  }
0x10: {  	[smem:$0x3FAC] =	sst s8  }
0x11: {  	[smem:$0x3FAD] =	sst s9;
	s0 =	simm.s32 @!p0 $0x0  }
0x12: {  	s1 =	sld [smem:$0x3F93];
	s0 =	simm.s32 @p0 $0x1  }
0x13: {  	[smem:$0x3FAE] =	sst s0;
	s0 =	simm.s32 @!p1 $0x0  }
0x14: {  	s2 =	sld [smem:$0x3F92];
	s0 =	simm.s32 @p1 $0x1  }
0x15: {  	[smem:$0x3FAF] =	sst s0;
	s0 =	simm.s32 @!p2 $0x0  }
0x16: {  	s3 =	sld [smem:$0x3FDB];
	s0 =	simm.s32 @p2 $0x1  }
0x17: {  	s4 =	simm.s32 $0x1BF5;
	[smem:$0x3FB1] =	sst s0  }
0x18: {  	s0 =	sld [smem:$0x3F94];
	_ =	swait.ge [sflag:s4], $0x0  }
0x19: {  	s7 =	sld [smem:$0x3F95]  }
0x1a: {  	s8 =	sadd.s32 $0xFFFFE003, lr  }
0x1b: {  	s9 =	sadd.s32 $0xFFFFFEF7, lr;
	s5 =	simm.s32 $0xFFFFFFFF;
	p2 =	slt.u32 s8, $0xFFFFF086  }
0x1c: {  	p1 =	slt.u32 s9, $0xF7A;
	s5 =	simm.s32 @!p2 $0x0  }
0x1d: {  	s5 =	simm.s32 @p1 $0x1;
	p0 =	seq.s32 s7, s2  }
0x1e: {  	s7 =	smul.u32 @!p0 $0xF7A, s2;
	p2 =	seq.s32 @!p0 s5, $0x0  }
0x1f: {  	s9 =	smul.u32 $0xF7A, s1;
	s8 =	simm.s32 @!p0 $0x1BF5;
	p2 =	por !p2, p0  }
0x20: {  	[sflag:s8] =	ssyncset.s32 @!p0 $0xFFFFF086;
	s6 =	sadd.s32 @!p0 s3, s7;
	s7 =	simm.s32 @!p0 $0x108  }
0x21: {  	s3 =	sadd.s32 s3, s9;
	s6 =	sadd.s32 @!p0 $0x88, s6;
	s7 =	simm.s32 @p2 $0x1082  }
0x22: {  	[simem:s7], [sflag:s8] =	dma.local @!p0 [hbm:s6], $0xF7A  }
0x23: {  	s9 =	sor.u32 $0xD0000000, s2;
	s6 =	simm.s32 $0x108;
	_ =	swait.ge @!p0 [sflag:s8], $0x0  }
0x24: {  	s3 =	sadd.s32 $0x88, s3;
	s6 =	simm.s32 @!p1 $0x1082;
	[sflag:s4] =	ssyncset.s32 $0xFFFFF086  }
0x25: {  	[simem:s6], [sflag:s4] =	dma.local [hbm:s3], $0xF7A  }
0x26: {  	[smem:$0x3F95] =	sst s1;
	(tag) =	ssettag s2;
	_ =	strace s9  }
0x27: {  	s1 =	sld [smem:$0x3FA5]  }
0x28: {  	s2 =	sld [smem:$0x3FA6]  }
0x29: {  	s4 =	sld [smem:$0x3FA8]  }
0x2a: {  	p0 =	seq.s32 s5, $0x0;
	s5 =	sld [smem:$0x3FA9]  }
0x2b: {  	s6 =	sld [smem:$0x3FAA]  }
0x2c: {  	s7 =	sld [smem:$0x3FAB]  }
0x2d: {  	s3 =	simm.s32 $0x108;
	s8 =	sld [smem:$0x3FAC]  }
0x2e: {  	s3 =	simm.s32 @!p0 $0x1082;
	s9 =	sld [smem:$0x3FAD]  }
0x2f: {  	lr =	sadd.s32 s0, s3;
	s0 =	sld [smem:$0x3FA4]  }
0x30: {  	s3 =	sld [smem:$0x3FA7]  }
0x31: {  	[smem:$0x3FB0] =	sst s10  }
0x32: {  	s10 =	sld [smem:$0x3FAE];
	_ =	sdelay $0x3  }
0x33: {  	p0 =	seq.s32 s10, $0x1;
	s10 =	sld [smem:$0x3FB0];
	_ =	sdelay $0x3  }
0x34: {  	[smem:$0x3FB0] =	sst s10  }
0x35: {  	s10 =	sld [smem:$0x3FAF];
	_ =	sdelay $0x3  }
0x36: {  	p1 =	seq.s32 s10, $0x1;
	s10 =	sld [smem:$0x3FB0];
	_ =	sdelay $0x3  }
0x37: {  	[smem:$0x3FB0] =	sst s10  }
0x38: {  	s10 =	sld [smem:$0x3FB1]  }
0x39: {  	_ = 	snop;
	(pc) =	sbr.ind lr, $3  }
0x3a: {  	_ = 	snop  }
0x3b: {  	_ = 	snop  }
0x3c: {  	p2 =	seq.s32 s10, $0x1;
	s10 =	sld [smem:$0x3FB0]  }
0x3d: {  	_ =	shalt  }
0x3e: {  	_ =	shalt  }
0x3f: {  	_ =	shalt  }
0x40: {  	_ =	shalt  }
0x41: {  	_ =	shalt  }
0x42: {  	_ =	shalt  }
0x43: {  	_ =	shalt  }
0x44: {  	_ =	shalt  }
0x45: {  	_ =	shalt  }
0x46: {  	_ =	shalt  }
0x47: {  	_ =	shalt  }
0x48: {  	_ =	shalt  }
0x49: {  	_ =	shalt  }
0x4a: {  	_ =	shalt  }
0x4b: {  	_ =	shalt  }
0x4c: {  	_ =	shalt  }
0x4d: {  	_ =	shalt  }
0x4e: {  	_ =	shalt  }
0x4f: {  	_ =	shalt  }
0x50: {  	_ =	shalt  }
0x51: {  	_ =	shalt  }
0x52: {  	_ =	shalt  }
0x53: {  	_ =	shalt  }
0x54: {  	_ =	shalt  }
0x55: {  	_ =	shalt  }
0x56: {  	_ =	shalt  }
0x57: {  	_ =	shalt  }
0x58: {  	_ =	shalt  }
0x59: {  	_ =	shalt  }
0x5a: {  	_ =	shalt  }
0x5b: {  	_ =	shalt  }
0x5c: {  	_ =	shalt  }
0x5d: {  	_ =	shalt  }
0x5e: {  	_ =	shalt  }
0x5f: {  	_ =	shalt  }
0x60: {  	_ =	shalt  }
0x61: {  	_ =	shalt  }
0x62: {  	_ =	shalt  }
0x63: {  	_ =	shalt  }
0x64: {  	_ =	shalt  }
0x65: {  	_ =	shalt  }
0x66: {  	_ =	shalt  }
0x67: {  	_ =	shalt  }
0x68: {  	_ =	shalt  }
0x69: {  	_ =	shalt  }
0x6a: {  	_ =	shalt  }
0x6b: {  	_ =	shalt  }
0x6c: {  	_ =	shalt  }
0x6d: {  	_ =	shalt  }
0x6e: {  	_ =	shalt  }
0x6f: {  	_ =	shalt  }
0x70: {  	_ =	shalt  }
0x71: {  	_ =	shalt  }
0x72: {  	_ =	shalt  }
0x73: {  	_ =	shalt  }
0x74: {  	_ =	shalt  }
0x75: {  	_ =	shalt  }
0x76: {  	_ =	shalt  }
0x77: {  	_ =	shalt  }
0x78: {  	_ =	shalt  }
0x79: {  	_ =	shalt  }
0x7a: {  	_ =	shalt  }
0x7b: {  	_ =	shalt  }
0x7c: {  	_ =	shalt  }
0x7d: {  	_ =	shalt  }
0x7e: {  	_ =	shalt  }
0x7f: {  	_ =	shalt  }
0x80: {  	_ =	shalt  }
0x81: {  	_ =	shalt  }
0x82: {  	_ =	shalt  }
0x83: {  	_ =	shalt  }
0x84: {  	_ =	shalt  }
0x85: {  	_ =	shalt  }
0x86: {  	_ =	shalt  }
0x87: {  	_ =	shalt  }
.Lfunc_end0:
.L_simem_size_0:
called_computation_lowered:
.L_overlay_start_0:
0x88: {  	s2 =	sld [smem:$0x3FD9]  }
0x89: {  	s3 =	sld [smem:$0x3FFE];
	_ =	sdelay $0x1  }
0x8a: {  	s1 =	srdreg.scid  }
0x8b: {  	s0 =	sand.u32 $0x1, s1  }
0x8c: {  	s17 =	sshll.u32 s0, $0xA;
	s2 =	sadd.s32 s3, s2  }
0x8d: {  	s2 =	sadd.s32 s2, s17  }
0x8e: {  	[smem:$0x3FBC] =	sst s2  }
0x8f: {  	_ = 	snop  }
0x90: {  	s2 =	sld [smem:$0x3FD0];
	(tm) =	ssettm $0x1  }
0x91: {  	s18 =	sld [smem:$0x3FFB];
	_ =	sdelay $0x3  }
0x92: {  	_ =	strace s18  }
0x93: {  	s3 =	sld [smem:$0x3FFC];
	_ =	sdelay $0x3  }
0x94: {  	_ =	strace s3  }
0x95: {  	s3 =	sld [smem:$0x3FFD];
	_ =	sdelay $0x3  }
0x96: {  	_ =	strace s3  }
0x97: {  	_ =	strace $0x8FFFFFFF  }
0x98: {  	s19 =	sld [smem:$0x3FDB];
	_ =	sdelay $0x1  }
0x99: {  	s4 =	simm.s32 $_scs_section_size  }
0x9a: {  	s5 =	simm.s32 $_size__tile_overlayer_lowered;
	s6 =	simm.s32 $_tile_overlayer_lowered  }
0x9b: {  	s22 =	simm.s32 $0x1BFF;
	s21 =	sshll.u32 s6, $0x1;
	s3 =	sadd.s32 s4, s19  }
0x9c: {  	s7 =	simm.s32 $0x0;
	s20 =	sshll.u32 s5, $0x1;
	s5 =	sadd.s32 s21, s3  }
0x9d: {  	[timem:s7], [sflag:s22] =	dma.local [hbm:s5], s20  }
0x9e: {  	_ =	swait.ge [sflag:s22], s20  }
0x9f: {  	s4 =	ssub.s32 $0x0, s20;
	[sflag:s22] =	ssyncset.done $0x0  }
0xa0: {  	[sflag:s22] =	ssyncadd.s32 s4;
	_ =	sdelay $0x1  }
0xa1: {  	s23 =	simm.s32 $0x1B8B  }
0xa2: {  	_ =	swait.ge [sflag:s23], $0x1  }
0xa3: {  	[sflag:s23] =	ssyncset.done $0x0  }
0xa4: {  	s25 =	simm.s32 $0x1B8E;
	s24 =	sld [smem:$0x3FFE];
	[sflag:s23] =	ssyncadd.s32 $0xFFFFFFFF  }
0xa5: {  	s26 =	simm.s32 $execute0_lowered;
	[smem:$0x3FD2] =	sst s25  }
0xa6: {  	s5 =	sshll.u32 s26, $0x1;
	_ =	strace $0x80000046;
	[dreg:$0x1] =	wrdreg $0xFFFFFFFF  }
0xa7: {  	s28 =	simm.s32 $_size_execute0_lowered;
	s3 =	sadd.s32 s3, s5;
	[dreg:$0x0] =	wrdreg $0x0  }
0xa8: {  	s5 =	sshll.u32 s28, $0x1;
	[dreg:$0x2] =	wrdreg s3  }
0xa9: {  	[dreg:$0x3] =	wrdreg s5  }
0xaa: {  	[dreg:$0x4] =	wrdreg $0xC0  }
0xab: {  	_ =	task [dreg:s7], $0x5FFFF  }
0xac: {  	[dreg:$0x1] =	wrdreg $0xFFFFFFFF  }
0xad: {  	[dreg:$0x0] =	wrdreg $0x60  }
0xae: {  	[dreg:$0x2] =	wrdreg s2  }
0xaf: {  	[dreg:$0x3] =	wrdreg s24  }
0xb0: {  	[dreg:$0x4] =	wrdreg $0x9  }
0xb1: {  	_ =	task.clear_ibuf [dreg:s7], $0x5FFFF;
	_ =	strace $0x90000046  }
0xb2: {  	s29 =	simm.s32 $0x9;
	_ =	strace $0x80000048  }
0xb3: {  	_ =	swait.ge [sflag:s29], $0x1  }
0xb4: {  	[sflag:s29] =	ssyncadd.s32 $0xFFFFFFFF  }
0xb5: {  	_ =	strace $0x90000048  }
0xb6: {  	_ =	sfence  }
0xb7: {  	s30 =	sld [smem:$0x0];
	_ =	sdelay $0x2  }
0xb8: {  	s31 =	sshll.u32 s1, $0xD;
	s1 =	sshrl.u32 s1, $0x2  }
0xb9: {  	s3 =	sand.u32 $0x4000, s31;
	s1 =	sadd.s32 s1, s30  }
0xba: {  	s0 =	sor.u32 s3, s0;
	s1 =	sshll.u32 s1, $0x11  }
0xbb: {  	s0 =	sor.u32 s1, s0  }
0xbc: {  	s0 =	sadd.s32 $0x8F2B, s0  }
0xbd: {  	[sflag:s0] =	ssyncadd.remote.s32 $0x1  }
0xbe: {  	_ =	sfence.sel $0xFFFF  }
0xbf: {  	[dreg:$0x0] =	wrdreg $0xFFFFFFFF;
	(pc) =	sbr.abs _section_cstart, $3  }
0xc0: {  	[dreg:$0x1] =	wrdreg $0xFFFFFFFF  }
0xc1: {  	_ =	task.clear_ibuf [dreg:s7], $0x2FFFF;
	_ =	strace $0x9FFFFFFF  }
0xc2: {  	(tm) =	ssettm $0x7FFFFFFF  }
0xc3: {  	_ =	shalt  }
tec
execute0_lowered:
.L_overlay_start_1:
0x0: {  	(tag) =	ssettag $0x1  }
0x1: {  	s1 =	srdreg.scid  }
0x2: {  	s0 =	stileid.u32;
	s2 =	rddreg [dreg:$0x0];
	s6 =	sand.u32 $0x1, s1  }
0x3: {  	s9 =	rddreg [dreg:$0x1];
	s30 =	sshll.u32 s0, $0x5;
	s3 =	sshll.u32 s6, $0x4  }
0x4: {  	s7 =	simm.s32 $0x80;
	s8 =	simm.s32 $0x1;
	s10 =	sor.u32 s3, s30  }
0x5: {  	s1 =	rddreg [dreg:$0x2];
	s3 =	simm.s32 $0x0;
	s4 =	sshrl.u32 s10, $0x3  }
0x6: {  	s11 =	ssub.s32 $0x2, s6;
	[smem:$0x7FF] =	sst s3;
	s4 =	sadd.s32 s4, s9  }
0x7: {  	_ =	strace $0x80000047;
	s5 =	sadd.s32 $0xC00, s4;
	s4 =	simm.s32 $0x2  }
0x8: {  	[tilespmem:s3], [sflag:$0x2] =	stream.linear.gather [hbm4b:s5+s3], $0x10, $0x38;
	[tilespmem:$0x880] =	vst v63  }
0x9: {  	s6 =	simm.s32 $0x10;
	s12 =	sshrl.u32 s11, $0x1;
	_ =	swait.ge [sflag:s4], $0x10  }
0xa: {  	s10 =	sshll.u32 s10, $0x4;
	s31 =	ssub.s32 s11, s12;
	[sflag:s4] =	ssyncset.done $0x0  }
0xb: {  	s9 =	sadd.s32 s10, s9;
	s10 =	smax.u32 s31, $0x1;
	[sflag:s4] =	ssyncadd.s32 $0xFFFFFFF0  }
0xc: {  	[tilespmem:s7], [sflag:$0x1] =	stream.indirect.gather [hbm4b:s2+s6], $0x80, s3, s6, $0xb8;
	[tilespmem:$0x880] =	vst v63  }
0xd: {  	p0 =	sne.s32 s10, $0x1;
	_ =	swait.ge [sflag:s8], $0x800  }
.Ltmp0:
0xe: {  	[sflag:s8] =	ssyncset.done $0x0;
	(pc) =	sbr.rel @!p0 .LBB2_2-.Ltmp0, $4  }
0xf: {  	s9 =	sadd.s32 $0xE00, s9;
	[sflag:s8] =	ssyncadd.s32 $0xFFFFF800  }
0x10: {  	[hbm4b:s9+s3] =	stream.linear.scatter [tilespmem:s7], [sflag:$0x2], $0x800, $0x38;
	[tilespmem:$0x880] =	vst v63  }
0x11: {  	_ =	swait.ge [sflag:s4], $0x800  }
0x12: {  	s10 =	sadd.s32 $0xFFFFFFFF, s10;
	[sflag:s4] =	ssyncset.done $0x0  }
.LBB2_1:
0x13: {  	p0 =	sne.s32 s10, $0x1;
	s10 =	sadd.s32 $0xFFFFFFFF, s10;
	[sflag:s4] =	ssyncadd.s32 $0xFFFFF800  }
0x14: {  	[tilespmem:s3], [sflag:$0x2] =	stream.linear.gather [hbm4b:s5+s3], $0x10, $0x38;
	[tilespmem:$0x880] =	vst v63  }
0x15: {  	_ =	swait.ge [sflag:s4], $0x10  }
0x16: {  	[sflag:s4] =	ssyncset.done $0x0  }
0x17: {  	[sflag:s4] =	ssyncadd.s32 $0xFFFFFFF0  }
0x18: {  	[tilespmem:s7], [sflag:$0x1] =	stream.indirect.gather [hbm4b:s2+s6], $0x80, s3, s6, $0xb8;
	[tilespmem:$0x880] =	vst v63  }
0x19: {  	_ =	swait.ge [sflag:s8], $0x800  }
.Ltmp1:
0x1a: {  	[sflag:s8] =	ssyncset.done $0x0;
	(pc) =	sbr.rel @p0 .LBB2_1-.Ltmp1, $4  }
0x1b: {  	[sflag:s8] =	ssyncadd.s32 $0xFFFFF800  }
0x1c: {  	[hbm4b:s9+s3] =	stream.linear.scatter [tilespmem:s7], [sflag:$0x2], $0x800, $0x38;
	[tilespmem:$0x880] =	vst v63  }
0x1d: {  	_ =	swait.ge [sflag:s4], $0x800  }
0x1e: {  	[sflag:s4] =	ssyncset.done $0x0  }
.LBB2_2:
0x1f: {  	[sflag:s4] =	ssyncadd.s32 $0xFFFFF800  }
0x20: {  	_ =	sfence.sel $0x180000  }
0x21: {  	[bflag:$0x0] =	sbarrier.arrive $0xFFFF  }
0x22: {  	p0 =	sne.s32 s0, $0x0;
	_ =	strace $0x90000047  }
0x23: {  	s0 =	sadd.s32 @!p0 $0x100000, s1;
	[bflag:$0x2] =	sbarrier.arrive $0xFFFF  }
0x24: {  	[sflag:s0] =	ssyncadd.tile.s32 @!p0 $0x1;
	_ =	shalt  }
.Lfunc_end2:
_tile_overlayer_lowered:
.L_overlay_start_2:
0x25: {  	(tag) =	ssettag $0x2  }
0x26: {  	s0 =	rddreg [dreg:$0x0];
	s2 =	stileid.u32  }
0x27: {  	s1 =	rddreg [dreg:$0x1];
	p0 =	sne.s32 s2, $0x0  }
0x28: {  	s3 =	rddreg [dreg:$0x2];
	[bflag:$0x3] =	sbarrier.arrive $0xFFFF;
	s2 =	simm.s32 @!p0 $0x1C02  }
0x29: {  	[timem:s3], [sflag:s2] =	dma.local @!p0 [hbm:s0], s1  }
0x2a: {  	s0 =	simm.s32 @!p0 $0x2  }
0x2b: {  	_ =	swait.ge @!p0 [sflag:s0], s1  }
0x2c: {  	s1 =	ssub.s32 @!p0 $0x0, s1;
	[sflag:s0] =	ssyncset.done @!p0 $0x0  }
0x2d: {  	[sflag:s0] =	ssyncadd.s32 @!p0 s1  }
0x2e: {  	[bflag:$0x3] =	sbarrier.arrive $0xFFFF  }
0x2f: {  	_ =	shalt  }

</sc_bundles>
